<compile_context>
chip_gen: v7x
topology: tpu7x:2x2x1
jax: 0.10.2.dev20260603
libtpu: 0.0.44.dev20260713+nightly
codegen_flags: <defaults>
</compile_context>

<pallas_src>
import functools
import jax
import jax.numpy as jnp
from jax import lax
from jax.experimental import pallas as pl
from jax.experimental.pallas import tpu as pltpu, tpu_sc as plsc

B = 16384
K = 64
HS = 4096
NW = 32
RW = HS // NW
G = RW // 16
CB = 2048
NTC = (B - HS) // CB


def _sc_dot(gut, git):
    mesh = plsc.VectorSubcoreMesh(core_axis_name="c", subcore_axis_name="s")

    @functools.partial(
        pl.kernel,
        mesh=mesh,
        out_type=jax.ShapeDtypeStruct((HS,), jnp.float32),
        scratch_types=[
            pltpu.VMEM((K, RW), jnp.float32),
            pltpu.VMEM((K, RW), jnp.float32),
            pltpu.VMEM((RW,), jnp.float32),
        ],
    )
    def k(gut_hbm, git_hbm, xui_hbm, ubuf, vbuf, xbuf):
        wid = lax.axis_index("s") * 2 + lax.axis_index("c")
        base = wid * RW
        pltpu.sync_copy(gut_hbm.at[:, pl.ds(base, RW)], ubuf)
        pltpu.sync_copy(git_hbm.at[:, pl.ds(base, RW)], vbuf)

        def group(j, _):
            col = j * 16
            acc = jnp.zeros((16,), jnp.float32)
            for kk in range(K):
                acc = acc + ubuf[kk, pl.ds(col, 16)] * vbuf[kk, pl.ds(col, 16)]
            xbuf[pl.ds(col, 16)] = acc
            return 0

        lax.fori_loop(0, G, group, 0)
        pltpu.sync_copy(xbuf, xui_hbm.at[pl.ds(base, RW)])

    return k(gut, git)


def _tc_body(gu_ref, gi_ref, xui_ref):
    xui_ref[...] = jnp.sum(gu_ref[...] * gi_ref[...], axis=0)


def _tc_dot(gut, git):
    off = HS // CB
    return pl.pallas_call(
        _tc_body,
        grid=(NTC,),
        in_specs=[
            pl.BlockSpec((K, CB), lambda i: (0, i + off)),
            pl.BlockSpec((K, CB), lambda i: (0, i + off)),
        ],
        out_specs=pl.BlockSpec((CB,), lambda i: (i,)),
        out_shape=jax.ShapeDtypeStruct((B - HS,), jnp.float32),
    )(gut, git)


def kernel(gu, gi):
    gut = gu.T
    git = gi.T
    xui_lo = _sc_dot(gut, git)
    xui_hi = _tc_dot(gut, git)
    return (jnp.concatenate([xui_lo, xui_hi]), gu, gi)

# --- scband reference (transcript-rebuilt; emitter-appended) ---
"""Pipeline reference for scband-uuiimodel-36936718745996 (READ-ONLY COPY).

The authoritative reference and input builder live on the scoring server;
editing this copy changes nothing except your own understanding.
"""

import jax, jax.numpy as jnp
import numpy as np

BATCH = 16384
EMBED_K = 64


def setup_inputs(seed: int = 0) -> dict:
    key = jax.random.key(seed)
    k1, k2 = jax.random.split(key)
    # gu, gi are pre-propagated user/item embeddings gathered for a batch of
    # (user, item) pairs, i.e. the `inputs=(gu[user], gi[item])` tuple that the
    # original forward receives after propagate_embeddings() + fancy indexing.
    gu = jax.random.normal(k1, (BATCH, EMBED_K), dtype=jnp.float32)
    gi = jax.random.normal(k2, (BATCH, EMBED_K), dtype=jnp.float32)
    return {"gu": gu, "gi": gi}


def reference(gu, gi):
    # Faithful translation of UUIIModel.forward(inputs=(gu, gi)):
    #   gamma_u = torch.squeeze(gu); gamma_i = torch.squeeze(gi)
    #   xui = torch.sum(gamma_u * gamma_i, 1)
    #   return (xui, gamma_u, gamma_i)
    gamma_u = jnp.squeeze(gu)
    gamma_i = jnp.squeeze(gi)
    xui = jnp.sum(gamma_u * gamma_i, axis=1)
    return (xui, gamma_u, gamma_i)

if __name__ == "__main__":
    import jax
    _d = setup_inputs()
    print(jax.jit(kernel)(*tuple(_d.values())))

</pallas_src>

<mosaic_0001>
#map = affine_map<(d0, d1) -> (0, 0)>
#map1 = affine_map<(d0, d1) -> (0)>
module attributes {stable_mosaic.version = 14 : i64} {
  func.func @k(%arg0: i32, %arg1: i32, %arg2: memref<64x16384xf32, #tpu.memory_space<hbm>>, %arg3: memref<64x16384xf32, #tpu.memory_space<hbm>>, %arg4: memref<4096xf32, #tpu.memory_space<hbm>>, %arg5: memref<64x128xf32, #tpu.memory_space<vmem>>, %arg6: memref<64x128xf32, #tpu.memory_space<vmem>>, %arg7: memref<128xf32, #tpu.memory_space<vmem>>) attributes {dimension_semantics = [#tpu.dimension_semantics<core_parallel>, #tpu.dimension_semantics<subcore_parallel>], iteration_bounds = array<i64: 2, 16>, scalar_prefetch = 0 : i64, scratch_operands = 3 : i64, tpu.core_type = #tpu.core_type<sc_vector_subcore>, window_params = [{transform_indices = #map}, {transform_indices = #map}, {transform_indices = #map1}]} {
    %mul3A = arith.constant 2 : i32
    %mul3A_0 = arith.muli %arg1, %mul3A : i32
    %add3A = arith.addi %mul3A_0, %arg0 : i32
    %mul3A_1 = arith.constant 128 : i32
    %mul3A_2 = arith.muli %add3A, %mul3A_1 : i32
    "tpu.region"() ({
      %run_scoped3A = tpu.sem_alloc : memref<!tpu.dma_semaphore, #tpu.memory_space<semaphore_mem>>
      %dma_start3A = arith.constant 0 : i32
      %dma_start3A_9 = tpu.memref_slice %arg2[%dma_start3A, %mul3A_2] : memref<64x16384xf32, #tpu.memory_space<hbm>> -> memref<64x128xf32, #tpu.memory_space<hbm>>
      %dma_start3A_10 = arith.constant 0 : i32
      %dma_start3A_11 = tpu.memref_slice %arg2[%dma_start3A_10, %mul3A_2] : memref<64x16384xf32, #tpu.memory_space<hbm>> -> memref<64x128xf32, #tpu.memory_space<hbm>>
      tpu.enqueue_dma source(%dma_start3A_11 : memref<64x128xf32, #tpu.memory_space<hbm>>) target(%arg5 : memref<64x128xf32, #tpu.memory_space<vmem>>) target_semaphore(%run_scoped3A : memref<!tpu.dma_semaphore, #tpu.memory_space<semaphore_mem>>)
      %dma_wait3A = arith.constant 0 : i32
      %dma_wait3A_12 = tpu.memref_slice %arg2[%dma_wait3A, %mul3A_2] : memref<64x16384xf32, #tpu.memory_space<hbm>> -> memref<64x128xf32, #tpu.memory_space<hbm>>
      %dma_wait3A_13 = arith.constant 0 : i32
      %dma_wait3A_14 = tpu.memref_slice %arg2[%dma_wait3A_13, %mul3A_2] : memref<64x16384xf32, #tpu.memory_space<hbm>> -> memref<64x128xf32, #tpu.memory_space<hbm>>
      tpu.wait_dma2 semaphore(%run_scoped3A : memref<!tpu.dma_semaphore, #tpu.memory_space<semaphore_mem>>) src(%dma_wait3A_14 : memref<64x128xf32, #tpu.memory_space<hbm>>) dst(%arg5 : memref<64x128xf32, #tpu.memory_space<vmem>>)
      tpu.yield
    }) : () -> ()
    "tpu.region"() ({
      %run_scoped3A = tpu.sem_alloc : memref<!tpu.dma_semaphore, #tpu.memory_space<semaphore_mem>>
      %dma_start3A = arith.constant 0 : i32
      %dma_start3A_9 = tpu.memref_slice %arg3[%dma_start3A, %mul3A_2] : memref<64x16384xf32, #tpu.memory_space<hbm>> -> memref<64x128xf32, #tpu.memory_space<hbm>>
      %dma_start3A_10 = arith.constant 0 : i32
      %dma_start3A_11 = tpu.memref_slice %arg3[%dma_start3A_10, %mul3A_2] : memref<64x16384xf32, #tpu.memory_space<hbm>> -> memref<64x128xf32, #tpu.memory_space<hbm>>
      tpu.enqueue_dma source(%dma_start3A_11 : memref<64x128xf32, #tpu.memory_space<hbm>>) target(%arg6 : memref<64x128xf32, #tpu.memory_space<vmem>>) target_semaphore(%run_scoped3A : memref<!tpu.dma_semaphore, #tpu.memory_space<semaphore_mem>>)
      %dma_wait3A = arith.constant 0 : i32
      %dma_wait3A_12 = tpu.memref_slice %arg3[%dma_wait3A, %mul3A_2] : memref<64x16384xf32, #tpu.memory_space<hbm>> -> memref<64x128xf32, #tpu.memory_space<hbm>>
      %dma_wait3A_13 = arith.constant 0 : i32
      %dma_wait3A_14 = tpu.memref_slice %arg3[%dma_wait3A_13, %mul3A_2] : memref<64x16384xf32, #tpu.memory_space<hbm>> -> memref<64x128xf32, #tpu.memory_space<hbm>>
      tpu.wait_dma2 semaphore(%run_scoped3A : memref<!tpu.dma_semaphore, #tpu.memory_space<semaphore_mem>>) src(%dma_wait3A_14 : memref<64x128xf32, #tpu.memory_space<hbm>>) dst(%arg6 : memref<64x128xf32, #tpu.memory_space<vmem>>)
      tpu.yield
    }) : () -> ()
    %scan3A = arith.constant 0 : i32
    %scan3A_3 = arith.constant 0 : i32
    %scan3A_4 = arith.constant 8 : i32
    %scan3A_5 = arith.addi %scan3A_3, %scan3A_4 : i32
    %scan3A_6 = arith.constant 1 : i32
    %scan3A_7 = scf.for %scan3A_9 = %scan3A_3 to %scan3A_5 step %scan3A_6 iter_args(%scan3A_10 = %scan3A) -> (i32)  : i32 {
      %mul3A_11 = arith.constant 16 : i32
      %mul3A_12 = arith.muli %scan3A_9, %mul3A_11 : i32
      %broadcast_in_dim3A = arith.constant 0.000000e+00 : f32
      %broadcast_in_dim3A_13 = vector.broadcast %broadcast_in_dim3A : f32 to vector<16xf32>
      %get3A = arith.constant 0 : i32
      %get3A_14 = arith.index_cast %get3A : i32 to index
      %get3A_15 = arith.index_cast %mul3A_12 : i32 to index
      %get3A_16 = tpu.vector_load %arg5[%get3A_14, %get3A_15] {strides = array<i32>} : memref<64x128xf32, #tpu.memory_space<vmem>>, vector<1x16xf32>,
      %get3A_17 = vector.shape_cast %get3A_16 : vector<1x16xf32> to vector<16xf32>
      %get3A_18 = arith.constant 0 : i32
      %get3A_19 = arith.index_cast %get3A_18 : i32 to index
      %get3A_20 = arith.index_cast %mul3A_12 : i32 to index
      %get3A_21 = tpu.vector_load %arg6[%get3A_19, %get3A_20] {strides = array<i32>} : memref<64x128xf32, #tpu.memory_space<vmem>>, vector<1x16xf32>,
      %get3A_22 = vector.shape_cast %get3A_21 : vector<1x16xf32> to vector<16xf32>
      %mul3A_23 = arith.mulf %get3A_17, %get3A_22 : vector<16xf32>
      %add3A_24 = arith.addf %broadcast_in_dim3A_13, %mul3A_23 : vector<16xf32>
      %get3A_25 = arith.constant 1 : i32
      %get3A_26 = arith.index_cast %get3A_25 : i32 to index
      %get3A_27 = arith.index_cast %mul3A_12 : i32 to index
      %get3A_28 = tpu.vector_load %arg5[%get3A_26, %get3A_27] {strides = array<i32>} : memref<64x128xf32, #tpu.memory_space<vmem>>, vector<1x16xf32>,
      %get3A_29 = vector.shape_cast %get3A_28 : vector<1x16xf32> to vector<16xf32>
      %get3A_30 = arith.constant 1 : i32
      %get3A_31 = arith.index_cast %get3A_30 : i32 to index
      %get3A_32 = arith.index_cast %mul3A_12 : i32 to index
      %get3A_33 = tpu.vector_load %arg6[%get3A_31, %get3A_32] {strides = array<i32>} : memref<64x128xf32, #tpu.memory_space<vmem>>, vector<1x16xf32>,
      %get3A_34 = vector.shape_cast %get3A_33 : vector<1x16xf32> to vector<16xf32>
      %mul3A_35 = arith.mulf %get3A_29, %get3A_34 : vector<16xf32>
      %add3A_36 = arith.addf %add3A_24, %mul3A_35 : vector<16xf32>
      %get3A_37 = arith.constant 2 : i32
      %get3A_38 = arith.index_cast %get3A_37 : i32 to index
      %get3A_39 = arith.index_cast %mul3A_12 : i32 to index
      %get3A_40 = tpu.vector_load %arg5[%get3A_38, %get3A_39] {strides = array<i32>} : memref<64x128xf32, #tpu.memory_space<vmem>>, vector<1x16xf32>,
      %get3A_41 = vector.shape_cast %get3A_40 : vector<1x16xf32> to vector<16xf32>
      %get3A_42 = arith.constant 2 : i32
      %get3A_43 = arith.index_cast %get3A_42 : i32 to index
      %get3A_44 = arith.index_cast %mul3A_12 : i32 to index
      %get3A_45 = tpu.vector_load %arg6[%get3A_43, %get3A_44] {strides = array<i32>} : memref<64x128xf32, #tpu.memory_space<vmem>>, vector<1x16xf32>,
      %get3A_46 = vector.shape_cast %get3A_45 : vector<1x16xf32> to vector<16xf32>
      %mul3A_47 = arith.mulf %get3A_41, %get3A_46 : vector<16xf32>
      %add3A_48 = arith.addf %add3A_36, %mul3A_47 : vector<16xf32>
      %get3A_49 = arith.constant 3 : i32
      %get3A_50 = arith.index_cast %get3A_49 : i32 to index
      %get3A_51 = arith.index_cast %mul3A_12 : i32 to index
      %get3A_52 = tpu.vector_load %arg5[%get3A_50, %get3A_51] {strides = array<i32>} : memref<64x128xf32, #tpu.memory_space<vmem>>, vector<1x16xf32>,
      %get3A_53 = vector.shape_cast %get3A_52 : vector<1x16xf32> to vector<16xf32>
      %get3A_54 = arith.constant 3 : i32
      %get3A_55 = arith.index_cast %get3A_54 : i32 to index
      %get3A_56 = arith.index_cast %mul3A_12 : i32 to index
      %get3A_57 = tpu.vector_load %arg6[%get3A_55, %get3A_56] {strides = array<i32>} : memref<64x128xf32, #tpu.memory_space<vmem>>, vector<1x16xf32>,
      %get3A_58 = vector.shape_cast %get3A_57 : vector<1x16xf32> to vector<16xf32>
      %mul3A_59 = arith.mulf %get3A_53, %get3A_58 : vector<16xf32>
      %add3A_60 = arith.addf %add3A_48, %mul3A_59 : vector<16xf32>
      %get3A_61 = arith.constant 4 : i32
      %get3A_62 = arith.index_cast %get3A_61 : i32 to index
      %get3A_63 = arith.index_cast %mul3A_12 : i32 to index
      %get3A_64 = tpu.vector_load %arg5[%get3A_62, %get3A_63] {strides = array<i32>} : memref<64x128xf32, #tpu.memory_space<vmem>>, vector<1x16xf32>,
      %get3A_65 = vector.shape_cast %get3A_64 : vector<1x16xf32> to vector<16xf32>
      %get3A_66 = arith.constant 4 : i32
      %get3A_67 = arith.index_cast %get3A_66 : i32 to index
      %get3A_68 = arith.index_cast %mul3A_12 : i32 to index
      %get3A_69 = tpu.vector_load %arg6[%get3A_67, %get3A_68] {strides = array<i32>} : memref<64x128xf32, #tpu.memory_space<vmem>>, vector<1x16xf32>,
      %get3A_70 = vector.shape_cast %get3A_69 : vector<1x16xf32> to vector<16xf32>
      %mul3A_71 = arith.mulf %get3A_65, %get3A_70 : vector<16xf32>
      %add3A_72 = arith.addf %add3A_60, %mul3A_71 : vector<16xf32>
      %get3A_73 = arith.constant 5 : i32
      %get3A_74 = arith.index_cast %get3A_73 : i32 to index
      %get3A_75 = arith.index_cast %mul3A_12 : i32 to index
      %get3A_76 = tpu.vector_load %arg5[%get3A_74, %get3A_75] {strides = array<i32>} : memref<64x128xf32, #tpu.memory_space<vmem>>, vector<1x16xf32>,
      %get3A_77 = vector.shape_cast %get3A_76 : vector<1x16xf32> to vector<16xf32>
      %get3A_78 = arith.constant 5 : i32
      %get3A_79 = arith.index_cast %get3A_78 : i32 to index
      %get3A_80 = arith.index_cast %mul3A_12 : i32 to index
      %get3A_81 = tpu.vector_load %arg6[%get3A_79, %get3A_80] {strides = array<i32>} : memref<64x128xf32, #tpu.memory_space<vmem>>, vector<1x16xf32>,
      %get3A_82 = vector.shape_cast %get3A_81 : vector<1x16xf32> to vector<16xf32>
      %mul3A_83 = arith.mulf %get3A_77, %get3A_82 : vector<16xf32>
      %add3A_84 = arith.addf %add3A_72, %mul3A_83 : vector<16xf32>
      %get3A_85 = arith.constant 6 : i32
      %get3A_86 = arith.index_cast %get3A_85 : i32 to index
      %get3A_87 = arith.index_cast %mul3A_12 : i32 to index
      %get3A_88 = tpu.vector_load %arg5[%get3A_86, %get3A_87] {strides = array<i32>} : memref<64x128xf32, #tpu.memory_space<vmem>>, vector<1x16xf32>,
      %get3A_89 = vector.shape_cast %get3A_88 : vector<1x16xf32> to vector<16xf32>
      %get3A_90 = arith.constant 6 : i32
      %get3A_91 = arith.index_cast %get3A_90 : i32 to index
      %get3A_92 = arith.index_cast %mul3A_12 : i32 to index
      %get3A_93 = tpu.vector_load %arg6[%get3A_91, %get3A_92] {strides = array<i32>} : memref<64x128xf32, #tpu.memory_space<vmem>>, vector<1x16xf32>,
      %get3A_94 = vector.shape_cast %get3A_93 : vector<1x16xf32> to vector<16xf32>
      %mul3A_95 = arith.mulf %get3A_89, %get3A_94 : vector<16xf32>
      %add3A_96 = arith.addf %add3A_84, %mul3A_95 : vector<16xf32>
      %get3A_97 = arith.constant 7 : i32
      %get3A_98 = arith.index_cast %get3A_97 : i32 to index
      %get3A_99 = arith.index_cast %mul3A_12 : i32 to index
      %get3A_100 = tpu.vector_load %arg5[%get3A_98, %get3A_99] {strides = array<i32>} : memref<64x128xf32, #tpu.memory_space<vmem>>, vector<1x16xf32>,
      %get3A_101 = vector.shape_cast %get3A_100 : vector<1x16xf32> to vector<16xf32>
      %get3A_102 = arith.constant 7 : i32
      %get3A_103 = arith.index_cast %get3A_102 : i32 to index
      %get3A_104 = arith.index_cast %mul3A_12 : i32 to index
      %get3A_105 = tpu.vector_load %arg6[%get3A_103, %get3A_104] {strides = array<i32>} : memref<64x128xf32, #tpu.memory_space<vmem>>, vector<1x16xf32>,
      %get3A_106 = vector.shape_cast %get3A_105 : vector<1x16xf32> to vector<16xf32>
      %mul3A_107 = arith.mulf %get3A_101, %get3A_106 : vector<16xf32>
      %add3A_108 = arith.addf %add3A_96, %mul3A_107 : vector<16xf32>
      %get3A_109 = arith.constant 8 : i32
      %get3A_110 = arith.index_cast %get3A_109 : i32 to index
      %get3A_111 = arith.index_cast %mul3A_12 : i32 to index
      %get3A_112 = tpu.vector_load %arg5[%get3A_110, %get3A_111] {strides = array<i32>} : memref<64x128xf32, #tpu.memory_space<vmem>>, vector<1x16xf32>,
      %get3A_113 = vector.shape_cast %get3A_112 : vector<1x16xf32> to vector<16xf32>
      %get3A_114 = arith.constant 8 : i32
      %get3A_115 = arith.index_cast %get3A_114 : i32 to index
      %get3A_116 = arith.index_cast %mul3A_12 : i32 to index
      %get3A_117 = tpu.vector_load %arg6[%get3A_115, %get3A_116] {strides = array<i32>} : memref<64x128xf32, #tpu.memory_space<vmem>>, vector<1x16xf32>,
      %get3A_118 = vector.shape_cast %get3A_117 : vector<1x16xf32> to vector<16xf32>
      %mul3A_119 = arith.mulf %get3A_113, %get3A_118 : vector<16xf32>
      %add3A_120 = arith.addf %add3A_108, %mul3A_119 : vector<16xf32>
      %get3A_121 = arith.constant 9 : i32
      %get3A_122 = arith.index_cast %get3A_121 : i32 to index
      %get3A_123 = arith.index_cast %mul3A_12 : i32 to index
      %get3A_124 = tpu.vector_load %arg5[%get3A_122, %get3A_123] {strides = array<i32>} : memref<64x128xf32, #tpu.memory_space<vmem>>, vector<1x16xf32>,
      %get3A_125 = vector.shape_cast %get3A_124 : vector<1x16xf32> to vector<16xf32>
      %get3A_126 = arith.constant 9 : i32
      %get3A_127 = arith.index_cast %get3A_126 : i32 to index
      %get3A_128 = arith.index_cast %mul3A_12 : i32 to index
      %get3A_129 = tpu.vector_load %arg6[%get3A_127, %get3A_128] {strides = array<i32>} : memref<64x128xf32, #tpu.memory_space<vmem>>, vector<1x16xf32>,
      %get3A_130 = vector.shape_cast %get3A_129 : vector<1x16xf32> to vector<16xf32>
      %mul3A_131 = arith.mulf %get3A_125, %get3A_130 : vector<16xf32>
      %add3A_132 = arith.addf %add3A_120, %mul3A_131 : vector<16xf32>
      %get3A_133 = arith.constant 10 : i32
      %get3A_134 = arith.index_cast %get3A_133 : i32 to index
      %get3A_135 = arith.index_cast %mul3A_12 : i32 to index
      %get3A_136 = tpu.vector_load %arg5[%get3A_134, %get3A_135] {strides = array<i32>} : memref<64x128xf32, #tpu.memory_space<vmem>>, vector<1x16xf32>,
      %get3A_137 = vector.shape_cast %get3A_136 : vector<1x16xf32> to vector<16xf32>
      %get3A_138 = arith.constant 10 : i32
      %get3A_139 = arith.index_cast %get3A_138 : i32 to index
      %get3A_140 = arith.index_cast %mul3A_12 : i32 to index
      %get3A_141 = tpu.vector_load %arg6[%get3A_139, %get3A_140] {strides = array<i32>} : memref<64x128xf32, #tpu.memory_space<vmem>>, vector<1x16xf32>,
      %get3A_142 = vector.shape_cast %get3A_141 : vector<1x16xf32> to vector<16xf32>
      %mul3A_143 = arith.mulf %get3A_137, %get3A_142 : vector<16xf32>
      %add3A_144 = arith.addf %add3A_132, %mul3A_143 : vector<16xf32>
      %get3A_145 = arith.constant 11 : i32
      %get3A_146 = arith.index_cast %get3A_145 : i32 to index
      %get3A_147 = arith.index_cast %mul3A_12 : i32 to index
      %get3A_148 = tpu.vector_load %arg5[%get3A_146, %get3A_147] {strides = array<i32>} : memref<64x128xf32, #tpu.memory_space<vmem>>, vector<1x16xf32>,
      %get3A_149 = vector.shape_cast %get3A_148 : vector<1x16xf32> to vector<16xf32>
      %get3A_150 = arith.constant 11 : i32
      %get3A_151 = arith.index_cast %get3A_150 : i32 to index
      %get3A_152 = arith.index_cast %mul3A_12 : i32 to index
      %get3A_153 = tpu.vector_load %arg6[%get3A_151, %get3A_152] {strides = array<i32>} : memref<64x128xf32, #tpu.memory_space<vmem>>, vector<1x16xf32>,
      %get3A_154 = vector.shape_cast %get3A_153 : vector<1x16xf32> to vector<16xf32>
      %mul3A_155 = arith.mulf %get3A_149, %get3A_154 : vector<16xf32>
      %add3A_156 = arith.addf %add3A_144, %mul3A_155 : vector<16xf32>
      %get3A_157 = arith.constant 12 : i32
      %get3A_158 = arith.index_cast %get3A_157 : i32 to index
      %get3A_159 = arith.index_cast %mul3A_12 : i32 to index
      %get3A_160 = tpu.vector_load %arg5[%get3A_158, %get3A_159] {strides = array<i32>} : memref<64x128xf32, #tpu.memory_space<vmem>>, vector<1x16xf32>,
      %get3A_161 = vector.shape_cast %get3A_160 : vector<1x16xf32> to vector<16xf32>
      %get3A_162 = arith.constant 12 : i32
      %get3A_163 = arith.index_cast %get3A_162 : i32 to index
      %get3A_164 = arith.index_cast %mul3A_12 : i32 to index
      %get3A_165 = tpu.vector_load %arg6[%get3A_163, %get3A_164] {strides = array<i32>} : memref<64x128xf32, #tpu.memory_space<vmem>>, vector<1x16xf32>,
      %get3A_166 = vector.shape_cast %get3A_165 : vector<1x16xf32> to vector<16xf32>
      %mul3A_167 = arith.mulf %get3A_161, %get3A_166 : vector<16xf32>
      %add3A_168 = arith.addf %add3A_156, %mul3A_167 : vector<16xf32>
      %get3A_169 = arith.constant 13 : i32
      %get3A_170 = arith.index_cast %get3A_169 : i32 to index
      %get3A_171 = arith.index_cast %mul3A_12 : i32 to index
      %get3A_172 = tpu.vector_load %arg5[%get3A_170, %get3A_171] {strides = array<i32>} : memref<64x128xf32, #tpu.memory_space<vmem>>, vector<1x16xf32>,
      %get3A_173 = vector.shape_cast %get3A_172 : vector<1x16xf32> to vector<16xf32>
      %get3A_174 = arith.constant 13 : i32
      %get3A_175 = arith.index_cast %get3A_174 : i32 to index
      %get3A_176 = arith.index_cast %mul3A_12 : i32 to index
      %get3A_177 = tpu.vector_load %arg6[%get3A_175, %get3A_176] {strides = array<i32>} : memref<64x128xf32, #tpu.memory_space<vmem>>, vector<1x16xf32>,
      %get3A_178 = vector.shape_cast %get3A_177 : vector<1x16xf32> to vector<16xf32>
      %mul3A_179 = arith.mulf %get3A_173, %get3A_178 : vector<16xf32>
      %add3A_180 = arith.addf %add3A_168, %mul3A_179 : vector<16xf32>
      %get3A_181 = arith.constant 14 : i32
      %get3A_182 = arith.index_cast %get3A_181 : i32 to index
      %get3A_183 = arith.index_cast %mul3A_12 : i32 to index
      %get3A_184 = tpu.vector_load %arg5[%get3A_182, %get3A_183] {strides = array<i32>} : memref<64x128xf32, #tpu.memory_space<vmem>>, vector<1x16xf32>,
      %get3A_185 = vector.shape_cast %get3A_184 : vector<1x16xf32> to vector<16xf32>
      %get3A_186 = arith.constant 14 : i32
      %get3A_187 = arith.index_cast %get3A_186 : i32 to index
      %get3A_188 = arith.index_cast %mul3A_12 : i32 to index
      %get3A_189 = tpu.vector_load %arg6[%get3A_187, %get3A_188] {strides = array<i32>} : memref<64x128xf32, #tpu.memory_space<vmem>>, vector<1x16xf32>,
      %get3A_190 = vector.shape_cast %get3A_189 : vector<1x16xf32> to vector<16xf32>
      %mul3A_191 = arith.mulf %get3A_185, %get3A_190 : vector<16xf32>
      %add3A_192 = arith.addf %add3A_180, %mul3A_191 : vector<16xf32>
      %get3A_193 = arith.constant 15 : i32
      %get3A_194 = arith.index_cast %get3A_193 : i32 to index
      %get3A_195 = arith.index_cast %mul3A_12 : i32 to index
      %get3A_196 = tpu.vector_load %arg5[%get3A_194, %get3A_195] {strides = array<i32>} : memref<64x128xf32, #tpu.memory_space<vmem>>, vector<1x16xf32>,
      %get3A_197 = vector.shape_cast %get3A_196 : vector<1x16xf32> to vector<16xf32>
      %get3A_198 = arith.constant 15 : i32
      %get3A_199 = arith.index_cast %get3A_198 : i32 to index
      %get3A_200 = arith.index_cast %mul3A_12 : i32 to index
      %get3A_201 = tpu.vector_load %arg6[%get3A_199, %get3A_200] {strides = array<i32>} : memref<64x128xf32, #tpu.memory_space<vmem>>, vector<1x16xf32>,
      %get3A_202 = vector.shape_cast %get3A_201 : vector<1x16xf32> to vector<16xf32>
      %mul3A_203 = arith.mulf %get3A_197, %get3A_202 : vector<16xf32>
      %add3A_204 = arith.addf %add3A_192, %mul3A_203 : vector<16xf32>
      %get3A_205 = arith.constant 16 : i32
      %get3A_206 = arith.index_cast %get3A_205 : i32 to index
      %get3A_207 = arith.index_cast %mul3A_12 : i32 to index
      %get3A_208 = tpu.vector_load %arg5[%get3A_206, %get3A_207] {strides = array<i32>} : memref<64x128xf32, #tpu.memory_space<vmem>>, vector<1x16xf32>,
      %get3A_209 = vector.shape_cast %get3A_208 : vector<1x16xf32> to vector<16xf32>
      %get3A_210 = arith.constant 16 : i32
      %get3A_211 = arith.index_cast %get3A_210 : i32 to index
      %get3A_212 = arith.index_cast %mul3A_12 : i32 to index
      %get3A_213 = tpu.vector_load %arg6[%get3A_211, %get3A_212] {strides = array<i32>} : memref<64x128xf32, #tpu.memory_space<vmem>>, vector<1x16xf32>,
      %get3A_214 = vector.shape_cast %get3A_213 : vector<1x16xf32> to vector<16xf32>
      %mul3A_215 = arith.mulf %get3A_209, %get3A_214 : vector<16xf32>
      %add3A_216 = arith.addf %add3A_204, %mul3A_215 : vector<16xf32>
      %get3A_217 = arith.constant 17 : i32
      %get3A_218 = arith.index_cast %get3A_217 : i32 to index
      %get3A_219 = arith.index_cast %mul3A_12 : i32 to index
      %get3A_220 = tpu.vector_load %arg5[%get3A_218, %get3A_219] {strides = array<i32>} : memref<64x128xf32, #tpu.memory_space<vmem>>, vector<1x16xf32>,
      %get3A_221 = vector.shape_cast %get3A_220 : vector<1x16xf32> to vector<16xf32>
      %get3A_222 = arith.constant 17 : i32
      %get3A_223 = arith.index_cast %get3A_222 : i32 to index
      %get3A_224 = arith.index_cast %mul3A_12 : i32 to index
      %get3A_225 = tpu.vector_load %arg6[%get3A_223, %get3A_224] {strides = array<i32>} : memref<64x128xf32, #tpu.memory_space<vmem>>, vector<1x16xf32>,
      %get3A_226 = vector.shape_cast %get3A_225 : vector<1x16xf32> to vector<16xf32>
      %mul3A_227 = arith.mulf %get3A_221, %get3A_226 : vector<16xf32>
      %add3A_228 = arith.addf %add3A_216, %mul3A_227 : vector<16xf32>
      %get3A_229 = arith.constant 18 : i32
      %get3A_230 = arith.index_cast %get3A_229 : i32 to index
      %get3A_231 = arith.index_cast %mul3A_12 : i32 to index
      %get3A_232 = tpu.vector_load %arg5[%get3A_230, %get3A_231] {strides = array<i32>} : memref<64x128xf32, #tpu.memory_space<vmem>>, vector<1x16xf32>,
      %get3A_233 = vector.shape_cast %get3A_232 : vector<1x16xf32> to vector<16xf32>
      %get3A_234 = arith.constant 18 : i32
      %get3A_235 = arith.index_cast %get3A_234 : i32 to index
      %get3A_236 = arith.index_cast %mul3A_12 : i32 to index
      %get3A_237 = tpu.vector_load %arg6[%get3A_235, %get3A_236] {strides = array<i32>} : memref<64x128xf32, #tpu.memory_space<vmem>>, vector<1x16xf32>,
      %get3A_238 = vector.shape_cast %get3A_237 : vector<1x16xf32> to vector<16xf32>
      %mul3A_239 = arith.mulf %get3A_233, %get3A_238 : vector<16xf32>
      %add3A_240 = arith.addf %add3A_228, %mul3A_239 : vector<16xf32>
      %get3A_241 = arith.constant 19 : i32
      %get3A_242 = arith.index_cast %get3A_241 : i32 to index
      %get3A_243 = arith.index_cast %mul3A_12 : i32 to index
      %get3A_244 = tpu.vector_load %arg5[%get3A_242, %get3A_243] {strides = array<i32>} : memref<64x128xf32, #tpu.memory_space<vmem>>, vector<1x16xf32>,
      %get3A_245 = vector.shape_cast %get3A_244 : vector<1x16xf32> to vector<16xf32>
      %get3A_246 = arith.constant 19 : i32
      %get3A_247 = arith.index_cast %get3A_246 : i32 to index
      %get3A_248 = arith.index_cast %mul3A_12 : i32 to index
      %get3A_249 = tpu.vector_load %arg6[%get3A_247, %get3A_248] {strides = array<i32>} : memref<64x128xf32, #tpu.memory_space<vmem>>, vector<1x16xf32>,
      %get3A_250 = vector.shape_cast %get3A_249 : vector<1x16xf32> to vector<16xf32>
      %mul3A_251 = arith.mulf %get3A_245, %get3A_250 : vector<16xf32>
      %add3A_252 = arith.addf %add3A_240, %mul3A_251 : vector<16xf32>
      %get3A_253 = arith.constant 20 : i32
      %get3A_254 = arith.index_cast %get3A_253 : i32 to index
      %get3A_255 = arith.index_cast %mul3A_12 : i32 to index
      %get3A_256 = tpu.vector_load %arg5[%get3A_254, %get3A_255] {strides = array<i32>} : memref<64x128xf32, #tpu.memory_space<vmem>>, vector<1x16xf32>,
      %get3A_257 = vector.shape_cast %get3A_256 : vector<1x16xf32> to vector<16xf32>
      %get3A_258 = arith.constant 20 : i32
      %get3A_259 = arith.index_cast %get3A_258 : i32 to index
      %get3A_260 = arith.index_cast %mul3A_12 : i32 to index
      %get3A_261 = tpu.vector_load %arg6[%get3A_259, %get3A_260] {strides = array<i32>} : memref<64x128xf32, #tpu.memory_space<vmem>>, vector<1x16xf32>,
      %get3A_262 = vector.shape_cast %get3A_261 : vector<1x16xf32> to vector<16xf32>
      %mul3A_263 = arith.mulf %get3A_257, %get3A_262 : vector<16xf32>
      %add3A_264 = arith.addf %add3A_252, %mul3A_263 : vector<16xf32>
      %get3A_265 = arith.constant 21 : i32
      %get3A_266 = arith.index_cast %get3A_265 : i32 to index
      %get3A_267 = arith.index_cast %mul3A_12 : i32 to index
      %get3A_268 = tpu.vector_load %arg5[%get3A_266, %get3A_267] {strides = array<i32>} : memref<64x128xf32, #tpu.memory_space<vmem>>, vector<1x16xf32>,
      %get3A_269 = vector.shape_cast %get3A_268 : vector<1x16xf32> to vector<16xf32>
      %get3A_270 = arith.constant 21 : i32
      %get3A_271 = arith.index_cast %get3A_270 : i32 to index
      %get3A_272 = arith.index_cast %mul3A_12 : i32 to index
      %get3A_273 = tpu.vector_load %arg6[%get3A_271, %get3A_272] {strides = array<i32>} : memref<64x128xf32, #tpu.memory_space<vmem>>, vector<1x16xf32>,
      %get3A_274 = vector.shape_cast %get3A_273 : vector<1x16xf32> to vector<16xf32>
      %mul3A_275 = arith.mulf %get3A_269, %get3A_274 : vector<16xf32>
      %add3A_276 = arith.addf %add3A_264, %mul3A_275 : vector<16xf32>
      %get3A_277 = arith.constant 22 : i32
      %get3A_278 = arith.index_cast %get3A_277 : i32 to index
      %get3A_279 = arith.index_cast %mul3A_12 : i32 to index
      %get3A_280 = tpu.vector_load %arg5[%get3A_278, %get3A_279] {strides = array<i32>} : memref<64x128xf32, #tpu.memory_space<vmem>>, vector<1x16xf32>,
      %get3A_281 = vector.shape_cast %get3A_280 : vector<1x16xf32> to vector<16xf32>
      %get3A_282 = arith.constant 22 : i32
      %get3A_283 = arith.index_cast %get3A_282 : i32 to index
      %get3A_284 = arith.index_cast %mul3A_12 : i32 to index
      %get3A_285 = tpu.vector_load %arg6[%get3A_283, %get3A_284] {strides = array<i32>} : memref<64x128xf32, #tpu.memory_space<vmem>>, vector<1x16xf32>,
      %get3A_286 = vector.shape_cast %get3A_285 : vector<1x16xf32> to vector<16xf32>
      %mul3A_287 = arith.mulf %get3A_281, %get3A_286 : vector<16xf32>
      %add3A_288 = arith.addf %add3A_276, %mul3A_287 : vector<16xf32>
      %get3A_289 = arith.constant 23 : i32
      %get3A_290 = arith.index_cast %get3A_289 : i32 to index
      %get3A_291 = arith.index_cast %mul3A_12 : i32 to index
      %get3A_292 = tpu.vector_load %arg5[%get3A_290, %get3A_291] {strides = array<i32>} : memref<64x128xf32, #tpu.memory_space<vmem>>, vector<1x16xf32>,
      %get3A_293 = vector.shape_cast %get3A_292 : vector<1x16xf32> to vector<16xf32>
      %get3A_294 = arith.constant 23 : i32
      %get3A_295 = arith.index_cast %get3A_294 : i32 to index
      %get3A_296 = arith.index_cast %mul3A_12 : i32 to index
      %get3A_297 = tpu.vector_load %arg6[%get3A_295, %get3A_296] {strides = array<i32>} : memref<64x128xf32, #tpu.memory_space<vmem>>, vector<1x16xf32>,
      %get3A_298 = vector.shape_cast %get3A_297 : vector<1x16xf32> to vector<16xf32>
      %mul3A_299 = arith.mulf %get3A_293, %get3A_298 : vector<16xf32>
      %add3A_300 = arith.addf %add3A_288, %mul3A_299 : vector<16xf32>
      %get3A_301 = arith.constant 24 : i32
      %get3A_302 = arith.index_cast %get3A_301 : i32 to index
      %get3A_303 = arith.index_cast %mul3A_12 : i32 to index
      %get3A_304 = tpu.vector_load %arg5[%get3A_302, %get3A_303] {strides = array<i32>} : memref<64x128xf32, #tpu.memory_space<vmem>>, vector<1x16xf32>,
      %get3A_305 = vector.shape_cast %get3A_304 : vector<1x16xf32> to vector<16xf32>
      %get3A_306 = arith.constant 24 : i32
      %get3A_307 = arith.index_cast %get3A_306 : i32 to index
      %get3A_308 = arith.index_cast %mul3A_12 : i32 to index
      %get3A_309 = tpu.vector_load %arg6[%get3A_307, %get3A_308] {strides = array<i32>} : memref<64x128xf32, #tpu.memory_space<vmem>>, vector<1x16xf32>,
      %get3A_310 = vector.shape_cast %get3A_309 : vector<1x16xf32> to vector<16xf32>
      %mul3A_311 = arith.mulf %get3A_305, %get3A_310 : vector<16xf32>
      %add3A_312 = arith.addf %add3A_300, %mul3A_311 : vector<16xf32>
      %get3A_313 = arith.constant 25 : i32
      %get3A_314 = arith.index_cast %get3A_313 : i32 to index
      %get3A_315 = arith.index_cast %mul3A_12 : i32 to index
      %get3A_316 = tpu.vector_load %arg5[%get3A_314, %get3A_315] {strides = array<i32>} : memref<64x128xf32, #tpu.memory_space<vmem>>, vector<1x16xf32>,
      %get3A_317 = vector.shape_cast %get3A_316 : vector<1x16xf32> to vector<16xf32>
      %get3A_318 = arith.constant 25 : i32
      %get3A_319 = arith.index_cast %get3A_318 : i32 to index
      %get3A_320 = arith.index_cast %mul3A_12 : i32 to index
      %get3A_321 = tpu.vector_load %arg6[%get3A_319, %get3A_320] {strides = array<i32>} : memref<64x128xf32, #tpu.memory_space<vmem>>, vector<1x16xf32>,
      %get3A_322 = vector.shape_cast %get3A_321 : vector<1x16xf32> to vector<16xf32>
      %mul3A_323 = arith.mulf %get3A_317, %get3A_322 : vector<16xf32>
      %add3A_324 = arith.addf %add3A_312, %mul3A_323 : vector<16xf32>
      %get3A_325 = arith.constant 26 : i32
      %get3A_326 = arith.index_cast %get3A_325 : i32 to index
      %get3A_327 = arith.index_cast %mul3A_12 : i32 to index
      %get3A_328 = tpu.vector_load %arg5[%get3A_326, %get3A_327] {strides = array<i32>} : memref<64x128xf32, #tpu.memory_space<vmem>>, vector<1x16xf32>,
      %get3A_329 = vector.shape_cast %get3A_328 : vector<1x16xf32> to vector<16xf32>
      %get3A_330 = arith.constant 26 : i32
      %get3A_331 = arith.index_cast %get3A_330 : i32 to index
      %get3A_332 = arith.index_cast %mul3A_12 : i32 to index
      %get3A_333 = tpu.vector_load %arg6[%get3A_331, %get3A_332] {strides = array<i32>} : memref<64x128xf32, #tpu.memory_space<vmem>>, vector<1x16xf32>,
      %get3A_334 = vector.shape_cast %get3A_333 : vector<1x16xf32> to vector<16xf32>
      %mul3A_335 = arith.mulf %get3A_329, %get3A_334 : vector<16xf32>
      %add3A_336 = arith.addf %add3A_324, %mul3A_335 : vector<16xf32>
      %get3A_337 = arith.constant 27 : i32
      %get3A_338 = arith.index_cast %get3A_337 : i32 to index
      %get3A_339 = arith.index_cast %mul3A_12 : i32 to index
      %get3A_340 = tpu.vector_load %arg5[%get3A_338, %get3A_339] {strides = array<i32>} : memref<64x128xf32, #tpu.memory_space<vmem>>, vector<1x16xf32>,
      %get3A_341 = vector.shape_cast %get3A_340 : vector<1x16xf32> to vector<16xf32>
      %get3A_342 = arith.constant 27 : i32
      %get3A_343 = arith.index_cast %get3A_342 : i32 to index
      %get3A_344 = arith.index_cast %mul3A_12 : i32 to index
      %get3A_345 = tpu.vector_load %arg6[%get3A_343, %get3A_344] {strides = array<i32>} : memref<64x128xf32, #tpu.memory_space<vmem>>, vector<1x16xf32>,
      %get3A_346 = vector.shape_cast %get3A_345 : vector<1x16xf32> to vector<16xf32>
      %mul3A_347 = arith.mulf %get3A_341, %get3A_346 : vector<16xf32>
      %add3A_348 = arith.addf %add3A_336, %mul3A_347 : vector<16xf32>
      %get3A_349 = arith.constant 28 : i32
      %get3A_350 = arith.index_cast %get3A_349 : i32 to index
      %get3A_351 = arith.index_cast %mul3A_12 : i32 to index
      %get3A_352 = tpu.vector_load %arg5[%get3A_350, %get3A_351] {strides = array<i32>} : memref<64x128xf32, #tpu.memory_space<vmem>>, vector<1x16xf32>,
      %get3A_353 = vector.shape_cast %get3A_352 : vector<1x16xf32> to vector<16xf32>
      %get3A_354 = arith.constant 28 : i32
      %get3A_355 = arith.index_cast %get3A_354 : i32 to index
      %get3A_356 = arith.index_cast %mul3A_12 : i32 to index
      %get3A_357 = tpu.vector_load %arg6[%get3A_355, %get3A_356] {strides = array<i32>} : memref<64x128xf32, #tpu.memory_space<vmem>>, vector<1x16xf32>,
      %get3A_358 = vector.shape_cast %get3A_357 : vector<1x16xf32> to vector<16xf32>
      %mul3A_359 = arith.mulf %get3A_353, %get3A_358 : vector<16xf32>
      %add3A_360 = arith.addf %add3A_348, %mul3A_359 : vector<16xf32>
      %get3A_361 = arith.constant 29 : i32
      %get3A_362 = arith.index_cast %get3A_361 : i32 to index
      %get3A_363 = arith.index_cast %mul3A_12 : i32 to index
      %get3A_364 = tpu.vector_load %arg5[%get3A_362, %get3A_363] {strides = array<i32>} : memref<64x128xf32, #tpu.memory_space<vmem>>, vector<1x16xf32>,
      %get3A_365 = vector.shape_cast %get3A_364 : vector<1x16xf32> to vector<16xf32>
      %get3A_366 = arith.constant 29 : i32
      %get3A_367 = arith.index_cast %get3A_366 : i32 to index
      %get3A_368 = arith.index_cast %mul3A_12 : i32 to index
      %get3A_369 = tpu.vector_load %arg6[%get3A_367, %get3A_368] {strides = array<i32>} : memref<64x128xf32, #tpu.memory_space<vmem>>, vector<1x16xf32>,
      %get3A_370 = vector.shape_cast %get3A_369 : vector<1x16xf32> to vector<16xf32>
      %mul3A_371 = arith.mulf %get3A_365, %get3A_370 : vector<16xf32>
      %add3A_372 = arith.addf %add3A_360, %mul3A_371 : vector<16xf32>
      %get3A_373 = arith.constant 30 : i32
      %get3A_374 = arith.index_cast %get3A_373 : i32 to index
      %get3A_375 = arith.index_cast %mul3A_12 : i32 to index
      %get3A_376 = tpu.vector_load %arg5[%get3A_374, %get3A_375] {strides = array<i32>} : memref<64x128xf32, #tpu.memory_space<vmem>>, vector<1x16xf32>,
      %get3A_377 = vector.shape_cast %get3A_376 : vector<1x16xf32> to vector<16xf32>
      %get3A_378 = arith.constant 30 : i32
      %get3A_379 = arith.index_cast %get3A_378 : i32 to index
      %get3A_380 = arith.index_cast %mul3A_12 : i32 to index
      %get3A_381 = tpu.vector_load %arg6[%get3A_379, %get3A_380] {strides = array<i32>} : memref<64x128xf32, #tpu.memory_space<vmem>>, vector<1x16xf32>,
      %get3A_382 = vector.shape_cast %get3A_381 : vector<1x16xf32> to vector<16xf32>
      %mul3A_383 = arith.mulf %get3A_377, %get3A_382 : vector<16xf32>
      %add3A_384 = arith.addf %add3A_372, %mul3A_383 : vector<16xf32>
      %get3A_385 = arith.constant 31 : i32
      %get3A_386 = arith.index_cast %get3A_385 : i32 to index
      %get3A_387 = arith.index_cast %mul3A_12 : i32 to index
      %get3A_388 = tpu.vector_load %arg5[%get3A_386, %get3A_387] {strides = array<i32>} : memref<64x128xf32, #tpu.memory_space<vmem>>, vector<1x16xf32>,
      %get3A_389 = vector.shape_cast %get3A_388 : vector<1x16xf32> to vector<16xf32>
      %get3A_390 = arith.constant 31 : i32
      %get3A_391 = arith.index_cast %get3A_390 : i32 to index
      %get3A_392 = arith.index_cast %mul3A_12 : i32 to index
      %get3A_393 = tpu.vector_load %arg6[%get3A_391, %get3A_392] {strides = array<i32>} : memref<64x128xf32, #tpu.memory_space<vmem>>, vector<1x16xf32>,
      %get3A_394 = vector.shape_cast %get3A_393 : vector<1x16xf32> to vector<16xf32>
      %mul3A_395 = arith.mulf %get3A_389, %get3A_394 : vector<16xf32>
      %add3A_396 = arith.addf %add3A_384, %mul3A_395 : vector<16xf32>
      %get3A_397 = arith.constant 32 : i32
      %get3A_398 = arith.index_cast %get3A_397 : i32 to index
      %get3A_399 = arith.index_cast %mul3A_12 : i32 to index
      %get3A_400 = tpu.vector_load %arg5[%get3A_398, %get3A_399] {strides = array<i32>} : memref<64x128xf32, #tpu.memory_space<vmem>>, vector<1x16xf32>,
      %get3A_401 = vector.shape_cast %get3A_400 : vector<1x16xf32> to vector<16xf32>
      %get3A_402 = arith.constant 32 : i32
      %get3A_403 = arith.index_cast %get3A_402 : i32 to index
      %get3A_404 = arith.index_cast %mul3A_12 : i32 to index
      %get3A_405 = tpu.vector_load %arg6[%get3A_403, %get3A_404] {strides = array<i32>} : memref<64x128xf32, #tpu.memory_space<vmem>>, vector<1x16xf32>,
      %get3A_406 = vector.shape_cast %get3A_405 : vector<1x16xf32> to vector<16xf32>
      %mul3A_407 = arith.mulf %get3A_401, %get3A_406 : vector<16xf32>
      %add3A_408 = arith.addf %add3A_396, %mul3A_407 : vector<16xf32>
      %get3A_409 = arith.constant 33 : i32
      %get3A_410 = arith.index_cast %get3A_409 : i32 to index
      %get3A_411 = arith.index_cast %mul3A_12 : i32 to index
      %get3A_412 = tpu.vector_load %arg5[%get3A_410, %get3A_411] {strides = array<i32>} : memref<64x128xf32, #tpu.memory_space<vmem>>, vector<1x16xf32>,
      %get3A_413 = vector.shape_cast %get3A_412 : vector<1x16xf32> to vector<16xf32>
      %get3A_414 = arith.constant 33 : i32
      %get3A_415 = arith.index_cast %get3A_414 : i32 to index
      %get3A_416 = arith.index_cast %mul3A_12 : i32 to index
      %get3A_417 = tpu.vector_load %arg6[%get3A_415, %get3A_416] {strides = array<i32>} : memref<64x128xf32, #tpu.memory_space<vmem>>, vector<1x16xf32>,
      %get3A_418 = vector.shape_cast %get3A_417 : vector<1x16xf32> to vector<16xf32>
      %mul3A_419 = arith.mulf %get3A_413, %get3A_418 : vector<16xf32>
      %add3A_420 = arith.addf %add3A_408, %mul3A_419 : vector<16xf32>
      %get3A_421 = arith.constant 34 : i32
      %get3A_422 = arith.index_cast %get3A_421 : i32 to index
      %get3A_423 = arith.index_cast %mul3A_12 : i32 to index
      %get3A_424 = tpu.vector_load %arg5[%get3A_422, %get3A_423] {strides = array<i32>} : memref<64x128xf32, #tpu.memory_space<vmem>>, vector<1x16xf32>,
      %get3A_425 = vector.shape_cast %get3A_424 : vector<1x16xf32> to vector<16xf32>
      %get3A_426 = arith.constant 34 : i32
      %get3A_427 = arith.index_cast %get3A_426 : i32 to index
      %get3A_428 = arith.index_cast %mul3A_12 : i32 to index
      %get3A_429 = tpu.vector_load %arg6[%get3A_427, %get3A_428] {strides = array<i32>} : memref<64x128xf32, #tpu.memory_space<vmem>>, vector<1x16xf32>,
      %get3A_430 = vector.shape_cast %get3A_429 : vector<1x16xf32> to vector<16xf32>
      %mul3A_431 = arith.mulf %get3A_425, %get3A_430 : vector<16xf32>
      %add3A_432 = arith.addf %add3A_420, %mul3A_431 : vector<16xf32>
      %get3A_433 = arith.constant 35 : i32
      %get3A_434 = arith.index_cast %get3A_433 : i32 to index
      %get3A_435 = arith.index_cast %mul3A_12 : i32 to index
      %get3A_436 = tpu.vector_load %arg5[%get3A_434, %get3A_435] {strides = array<i32>} : memref<64x128xf32, #tpu.memory_space<vmem>>, vector<1x16xf32>,
      %get3A_437 = vector.shape_cast %get3A_436 : vector<1x16xf32> to vector<16xf32>
      %get3A_438 = arith.constant 35 : i32
      %get3A_439 = arith.index_cast %get3A_438 : i32 to index
      %get3A_440 = arith.index_cast %mul3A_12 : i32 to index
      %get3A_441 = tpu.vector_load %arg6[%get3A_439, %get3A_440] {strides = array<i32>} : memref<64x128xf32, #tpu.memory_space<vmem>>, vector<1x16xf32>,
      %get3A_442 = vector.shape_cast %get3A_441 : vector<1x16xf32> to vector<16xf32>
      %mul3A_443 = arith.mulf %get3A_437, %get3A_442 : vector<16xf32>
      %add3A_444 = arith.addf %add3A_432, %mul3A_443 : vector<16xf32>
      %get3A_445 = arith.constant 36 : i32
      %get3A_446 = arith.index_cast %get3A_445 : i32 to index
      %get3A_447 = arith.index_cast %mul3A_12 : i32 to index
      %get3A_448 = tpu.vector_load %arg5[%get3A_446, %get3A_447] {strides = array<i32>} : memref<64x128xf32, #tpu.memory_space<vmem>>, vector<1x16xf32>,
      %get3A_449 = vector.shape_cast %get3A_448 : vector<1x16xf32> to vector<16xf32>
      %get3A_450 = arith.constant 36 : i32
      %get3A_451 = arith.index_cast %get3A_450 : i32 to index
      %get3A_452 = arith.index_cast %mul3A_12 : i32 to index
      %get3A_453 = tpu.vector_load %arg6[%get3A_451, %get3A_452] {strides = array<i32>} : memref<64x128xf32, #tpu.memory_space<vmem>>, vector<1x16xf32>,
      %get3A_454 = vector.shape_cast %get3A_453 : vector<1x16xf32> to vector<16xf32>
      %mul3A_455 = arith.mulf %get3A_449, %get3A_454 : vector<16xf32>
      %add3A_456 = arith.addf %add3A_444, %mul3A_455 : vector<16xf32>
      %get3A_457 = arith.constant 37 : i32
      %get3A_458 = arith.index_cast %get3A_457 : i32 to index
      %get3A_459 = arith.index_cast %mul3A_12 : i32 to index
      %get3A_460 = tpu.vector_load %arg5[%get3A_458, %get3A_459] {strides = array<i32>} : memref<64x128xf32, #tpu.memory_space<vmem>>, vector<1x16xf32>,
      %get3A_461 = vector.shape_cast %get3A_460 : vector<1x16xf32> to vector<16xf32>
      %get3A_462 = arith.constant 37 : i32
      %get3A_463 = arith.index_cast %get3A_462 : i32 to index
      %get3A_464 = arith.index_cast %mul3A_12 : i32 to index
      %get3A_465 = tpu.vector_load %arg6[%get3A_463, %get3A_464] {strides = array<i32>} : memref<64x128xf32, #tpu.memory_space<vmem>>, vector<1x16xf32>,
      %get3A_466 = vector.shape_cast %get3A_465 : vector<1x16xf32> to vector<16xf32>
      %mul3A_467 = arith.mulf %get3A_461, %get3A_466 : vector<16xf32>
      %add3A_468 = arith.addf %add3A_456, %mul3A_467 : vector<16xf32>
      %get3A_469 = arith.constant 38 : i32
      %get3A_470 = arith.index_cast %get3A_469 : i32 to index
      %get3A_471 = arith.index_cast %mul3A_12 : i32 to index
      %get3A_472 = tpu.vector_load %arg5[%get3A_470, %get3A_471] {strides = array<i32>} : memref<64x128xf32, #tpu.memory_space<vmem>>, vector<1x16xf32>,
      %get3A_473 = vector.shape_cast %get3A_472 : vector<1x16xf32> to vector<16xf32>
      %get3A_474 = arith.constant 38 : i32
      %get3A_475 = arith.index_cast %get3A_474 : i32 to index
      %get3A_476 = arith.index_cast %mul3A_12 : i32 to index
      %get3A_477 = tpu.vector_load %arg6[%get3A_475, %get3A_476] {strides = array<i32>} : memref<64x128xf32, #tpu.memory_space<vmem>>, vector<1x16xf32>,
      %get3A_478 = vector.shape_cast %get3A_477 : vector<1x16xf32> to vector<16xf32>
      %mul3A_479 = arith.mulf %get3A_473, %get3A_478 : vector<16xf32>
      %add3A_480 = arith.addf %add3A_468, %mul3A_479 : vector<16xf32>
      %get3A_481 = arith.constant 39 : i32
      %get3A_482 = arith.index_cast %get3A_481 : i32 to index
      %get3A_483 = arith.index_cast %mul3A_12 : i32 to index
      %get3A_484 = tpu.vector_load %arg5[%get3A_482, %get3A_483] {strides = array<i32>} : memref<64x128xf32, #tpu.memory_space<vmem>>, vector<1x16xf32>,
      %get3A_485 = vector.shape_cast %get3A_484 : vector<1x16xf32> to vector<16xf32>
      %get3A_486 = arith.constant 39 : i32
      %get3A_487 = arith.index_cast %get3A_486 : i32 to index
      %get3A_488 = arith.index_cast %mul3A_12 : i32 to index
      %get3A_489 = tpu.vector_load %arg6[%get3A_487, %get3A_488] {strides = array<i32>} : memref<64x128xf32, #tpu.memory_space<vmem>>, vector<1x16xf32>,
      %get3A_490 = vector.shape_cast %get3A_489 : vector<1x16xf32> to vector<16xf32>
      %mul3A_491 = arith.mulf %get3A_485, %get3A_490 : vector<16xf32>
      %add3A_492 = arith.addf %add3A_480, %mul3A_491 : vector<16xf32>
      %get3A_493 = arith.constant 40 : i32
      %get3A_494 = arith.index_cast %get3A_493 : i32 to index
      %get3A_495 = arith.index_cast %mul3A_12 : i32 to index
      %get3A_496 = tpu.vector_load %arg5[%get3A_494, %get3A_495] {strides = array<i32>} : memref<64x128xf32, #tpu.memory_space<vmem>>, vector<1x16xf32>,
      %get3A_497 = vector.shape_cast %get3A_496 : vector<1x16xf32> to vector<16xf32>
      %get3A_498 = arith.constant 40 : i32
      %get3A_499 = arith.index_cast %get3A_498 : i32 to index
      %get3A_500 = arith.index_cast %mul3A_12 : i32 to index
      %get3A_501 = tpu.vector_load %arg6[%get3A_499, %get3A_500] {strides = array<i32>} : memref<64x128xf32, #tpu.memory_space<vmem>>, vector<1x16xf32>,
      %get3A_502 = vector.shape_cast %get3A_501 : vector<1x16xf32> to vector<16xf32>
      %mul3A_503 = arith.mulf %get3A_497, %get3A_502 : vector<16xf32>
      %add3A_504 = arith.addf %add3A_492, %mul3A_503 : vector<16xf32>
      %get3A_505 = arith.constant 41 : i32
      %get3A_506 = arith.index_cast %get3A_505 : i32 to index
      %get3A_507 = arith.index_cast %mul3A_12 : i32 to index
      %get3A_508 = tpu.vector_load %arg5[%get3A_506, %get3A_507] {strides = array<i32>} : memref<64x128xf32, #tpu.memory_space<vmem>>, vector<1x16xf32>,
      %get3A_509 = vector.shape_cast %get3A_508 : vector<1x16xf32> to vector<16xf32>
      %get3A_510 = arith.constant 41 : i32
      %get3A_511 = arith.index_cast %get3A_510 : i32 to index
      %get3A_512 = arith.index_cast %mul3A_12 : i32 to index
      %get3A_513 = tpu.vector_load %arg6[%get3A_511, %get3A_512] {strides = array<i32>} : memref<64x128xf32, #tpu.memory_space<vmem>>, vector<1x16xf32>,
      %get3A_514 = vector.shape_cast %get3A_513 : vector<1x16xf32> to vector<16xf32>
      %mul3A_515 = arith.mulf %get3A_509, %get3A_514 : vector<16xf32>
      %add3A_516 = arith.addf %add3A_504, %mul3A_515 : vector<16xf32>
      %get3A_517 = arith.constant 42 : i32
      %get3A_518 = arith.index_cast %get3A_517 : i32 to index
      %get3A_519 = arith.index_cast %mul3A_12 : i32 to index
      %get3A_520 = tpu.vector_load %arg5[%get3A_518, %get3A_519] {strides = array<i32>} : memref<64x128xf32, #tpu.memory_space<vmem>>, vector<1x16xf32>,
      %get3A_521 = vector.shape_cast %get3A_520 : vector<1x16xf32> to vector<16xf32>
      %get3A_522 = arith.constant 42 : i32
      %get3A_523 = arith.index_cast %get3A_522 : i32 to index
      %get3A_524 = arith.index_cast %mul3A_12 : i32 to index
      %get3A_525 = tpu.vector_load %arg6[%get3A_523, %get3A_524] {strides = array<i32>} : memref<64x128xf32, #tpu.memory_space<vmem>>, vector<1x16xf32>,
      %get3A_526 = vector.shape_cast %get3A_525 : vector<1x16xf32> to vector<16xf32>
      %mul3A_527 = arith.mulf %get3A_521, %get3A_526 : vector<16xf32>
      %add3A_528 = arith.addf %add3A_516, %mul3A_527 : vector<16xf32>
      %get3A_529 = arith.constant 43 : i32
      %get3A_530 = arith.index_cast %get3A_529 : i32 to index
      %get3A_531 = arith.index_cast %mul3A_12 : i32 to index
      %get3A_532 = tpu.vector_load %arg5[%get3A_530, %get3A_531] {strides = array<i32>} : memref<64x128xf32, #tpu.memory_space<vmem>>, vector<1x16xf32>,
      %get3A_533 = vector.shape_cast %get3A_532 : vector<1x16xf32> to vector<16xf32>
      %get3A_534 = arith.constant 43 : i32
      %get3A_535 = arith.index_cast %get3A_534 : i32 to index
      %get3A_536 = arith.index_cast %mul3A_12 : i32 to index
      %get3A_537 = tpu.vector_load %arg6[%get3A_535, %get3A_536] {strides = array<i32>} : memref<64x128xf32, #tpu.memory_space<vmem>>, vector<1x16xf32>,
      %get3A_538 = vector.shape_cast %get3A_537 : vector<1x16xf32> to vector<16xf32>
      %mul3A_539 = arith.mulf %get3A_533, %get3A_538 : vector<16xf32>
      %add3A_540 = arith.addf %add3A_528, %mul3A_539 : vector<16xf32>
      %get3A_541 = arith.constant 44 : i32
      %get3A_542 = arith.index_cast %get3A_541 : i32 to index
      %get3A_543 = arith.index_cast %mul3A_12 : i32 to index
      %get3A_544 = tpu.vector_load %arg5[%get3A_542, %get3A_543] {strides = array<i32>} : memref<64x128xf32, #tpu.memory_space<vmem>>, vector<1x16xf32>,
      %get3A_545 = vector.shape_cast %get3A_544 : vector<1x16xf32> to vector<16xf32>
      %get3A_546 = arith.constant 44 : i32
      %get3A_547 = arith.index_cast %get3A_546 : i32 to index
      %get3A_548 = arith.index_cast %mul3A_12 : i32 to index
      %get3A_549 = tpu.vector_load %arg6[%get3A_547, %get3A_548] {strides = array<i32>} : memref<64x128xf32, #tpu.memory_space<vmem>>, vector<1x16xf32>,
      %get3A_550 = vector.shape_cast %get3A_549 : vector<1x16xf32> to vector<16xf32>
      %mul3A_551 = arith.mulf %get3A_545, %get3A_550 : vector<16xf32>
      %add3A_552 = arith.addf %add3A_540, %mul3A_551 : vector<16xf32>
      %get3A_553 = arith.constant 45 : i32
      %get3A_554 = arith.index_cast %get3A_553 : i32 to index
      %get3A_555 = arith.index_cast %mul3A_12 : i32 to index
      %get3A_556 = tpu.vector_load %arg5[%get3A_554, %get3A_555] {strides = array<i32>} : memref<64x128xf32, #tpu.memory_space<vmem>>, vector<1x16xf32>,
      %get3A_557 = vector.shape_cast %get3A_556 : vector<1x16xf32> to vector<16xf32>
      %get3A_558 = arith.constant 45 : i32
      %get3A_559 = arith.index_cast %get3A_558 : i32 to index
      %get3A_560 = arith.index_cast %mul3A_12 : i32 to index
      %get3A_561 = tpu.vector_load %arg6[%get3A_559, %get3A_560] {strides = array<i32>} : memref<64x128xf32, #tpu.memory_space<vmem>>, vector<1x16xf32>,
      %get3A_562 = vector.shape_cast %get3A_561 : vector<1x16xf32> to vector<16xf32>
      %mul3A_563 = arith.mulf %get3A_557, %get3A_562 : vector<16xf32>
      %add3A_564 = arith.addf %add3A_552, %mul3A_563 : vector<16xf32>
      %get3A_565 = arith.constant 46 : i32
      %get3A_566 = arith.index_cast %get3A_565 : i32 to index
      %get3A_567 = arith.index_cast %mul3A_12 : i32 to index
      %get3A_568 = tpu.vector_load %arg5[%get3A_566, %get3A_567] {strides = array<i32>} : memref<64x128xf32, #tpu.memory_space<vmem>>, vector<1x16xf32>,
      %get3A_569 = vector.shape_cast %get3A_568 : vector<1x16xf32> to vector<16xf32>
      %get3A_570 = arith.constant 46 : i32
      %get3A_571 = arith.index_cast %get3A_570 : i32 to index
      %get3A_572 = arith.index_cast %mul3A_12 : i32 to index
      %get3A_573 = tpu.vector_load %arg6[%get3A_571, %get3A_572] {strides = array<i32>} : memref<64x128xf32, #tpu.memory_space<vmem>>, vector<1x16xf32>,
      %get3A_574 = vector.shape_cast %get3A_573 : vector<1x16xf32> to vector<16xf32>
      %mul3A_575 = arith.mulf %get3A_569, %get3A_574 : vector<16xf32>
      %add3A_576 = arith.addf %add3A_564, %mul3A_575 : vector<16xf32>
      %get3A_577 = arith.constant 47 : i32
      %get3A_578 = arith.index_cast %get3A_577 : i32 to index
      %get3A_579 = arith.index_cast %mul3A_12 : i32 to index
      %get3A_580 = tpu.vector_load %arg5[%get3A_578, %get3A_579] {strides = array<i32>} : memref<64x128xf32, #tpu.memory_space<vmem>>, vector<1x16xf32>,
      %get3A_581 = vector.shape_cast %get3A_580 : vector<1x16xf32> to vector<16xf32>
      %get3A_582 = arith.constant 47 : i32
      %get3A_583 = arith.index_cast %get3A_582 : i32 to index
      %get3A_584 = arith.index_cast %mul3A_12 : i32 to index
      %get3A_585 = tpu.vector_load %arg6[%get3A_583, %get3A_584] {strides = array<i32>} : memref<64x128xf32, #tpu.memory_space<vmem>>, vector<1x16xf32>,
      %get3A_586 = vector.shape_cast %get3A_585 : vector<1x16xf32> to vector<16xf32>
      %mul3A_587 = arith.mulf %get3A_581, %get3A_586 : vector<16xf32>
      %add3A_588 = arith.addf %add3A_576, %mul3A_587 : vector<16xf32>
      %get3A_589 = arith.constant 48 : i32
      %get3A_590 = arith.index_cast %get3A_589 : i32 to index
      %get3A_591 = arith.index_cast %mul3A_12 : i32 to index
      %get3A_592 = tpu.vector_load %arg5[%get3A_590, %get3A_591] {strides = array<i32>} : memref<64x128xf32, #tpu.memory_space<vmem>>, vector<1x16xf32>,
      %get3A_593 = vector.shape_cast %get3A_592 : vector<1x16xf32> to vector<16xf32>
      %get3A_594 = arith.constant 48 : i32
      %get3A_595 = arith.index_cast %get3A_594 : i32 to index
      %get3A_596 = arith.index_cast %mul3A_12 : i32 to index
      %get3A_597 = tpu.vector_load %arg6[%get3A_595, %get3A_596] {strides = array<i32>} : memref<64x128xf32, #tpu.memory_space<vmem>>, vector<1x16xf32>,
      %get3A_598 = vector.shape_cast %get3A_597 : vector<1x16xf32> to vector<16xf32>
      %mul3A_599 = arith.mulf %get3A_593, %get3A_598 : vector<16xf32>
      %add3A_600 = arith.addf %add3A_588, %mul3A_599 : vector<16xf32>
      %get3A_601 = arith.constant 49 : i32
      %get3A_602 = arith.index_cast %get3A_601 : i32 to index
      %get3A_603 = arith.index_cast %mul3A_12 : i32 to index
      %get3A_604 = tpu.vector_load %arg5[%get3A_602, %get3A_603] {strides = array<i32>} : memref<64x128xf32, #tpu.memory_space<vmem>>, vector<1x16xf32>,
      %get3A_605 = vector.shape_cast %get3A_604 : vector<1x16xf32> to vector<16xf32>
      %get3A_606 = arith.constant 49 : i32
      %get3A_607 = arith.index_cast %get3A_606 : i32 to index
      %get3A_608 = arith.index_cast %mul3A_12 : i32 to index
      %get3A_609 = tpu.vector_load %arg6[%get3A_607, %get3A_608] {strides = array<i32>} : memref<64x128xf32, #tpu.memory_space<vmem>>, vector<1x16xf32>,
      %get3A_610 = vector.shape_cast %get3A_609 : vector<1x16xf32> to vector<16xf32>
      %mul3A_611 = arith.mulf %get3A_605, %get3A_610 : vector<16xf32>
      %add3A_612 = arith.addf %add3A_600, %mul3A_611 : vector<16xf32>
      %get3A_613 = arith.constant 50 : i32
      %get3A_614 = arith.index_cast %get3A_613 : i32 to index
      %get3A_615 = arith.index_cast %mul3A_12 : i32 to index
      %get3A_616 = tpu.vector_load %arg5[%get3A_614, %get3A_615] {strides = array<i32>} : memref<64x128xf32, #tpu.memory_space<vmem>>, vector<1x16xf32>,
      %get3A_617 = vector.shape_cast %get3A_616 : vector<1x16xf32> to vector<16xf32>
      %get3A_618 = arith.constant 50 : i32
      %get3A_619 = arith.index_cast %get3A_618 : i32 to index
      %get3A_620 = arith.index_cast %mul3A_12 : i32 to index
      %get3A_621 = tpu.vector_load %arg6[%get3A_619, %get3A_620] {strides = array<i32>} : memref<64x128xf32, #tpu.memory_space<vmem>>, vector<1x16xf32>,
      %get3A_622 = vector.shape_cast %get3A_621 : vector<1x16xf32> to vector<16xf32>
      %mul3A_623 = arith.mulf %get3A_617, %get3A_622 : vector<16xf32>
      %add3A_624 = arith.addf %add3A_612, %mul3A_623 : vector<16xf32>
      %get3A_625 = arith.constant 51 : i32
      %get3A_626 = arith.index_cast %get3A_625 : i32 to index
      %get3A_627 = arith.index_cast %mul3A_12 : i32 to index
      %get3A_628 = tpu.vector_load %arg5[%get3A_626, %get3A_627] {strides = array<i32>} : memref<64x128xf32, #tpu.memory_space<vmem>>, vector<1x16xf32>,
      %get3A_629 = vector.shape_cast %get3A_628 : vector<1x16xf32> to vector<16xf32>
      %get3A_630 = arith.constant 51 : i32
      %get3A_631 = arith.index_cast %get3A_630 : i32 to index
      %get3A_632 = arith.index_cast %mul3A_12 : i32 to index
      %get3A_633 = tpu.vector_load %arg6[%get3A_631, %get3A_632] {strides = array<i32>} : memref<64x128xf32, #tpu.memory_space<vmem>>, vector<1x16xf32>,
      %get3A_634 = vector.shape_cast %get3A_633 : vector<1x16xf32> to vector<16xf32>
      %mul3A_635 = arith.mulf %get3A_629, %get3A_634 : vector<16xf32>
      %add3A_636 = arith.addf %add3A_624, %mul3A_635 : vector<16xf32>
      %get3A_637 = arith.constant 52 : i32
      %get3A_638 = arith.index_cast %get3A_637 : i32 to index
      %get3A_639 = arith.index_cast %mul3A_12 : i32 to index
      %get3A_640 = tpu.vector_load %arg5[%get3A_638, %get3A_639] {strides = array<i32>} : memref<64x128xf32, #tpu.memory_space<vmem>>, vector<1x16xf32>,
      %get3A_641 = vector.shape_cast %get3A_640 : vector<1x16xf32> to vector<16xf32>
      %get3A_642 = arith.constant 52 : i32
      %get3A_643 = arith.index_cast %get3A_642 : i32 to index
      %get3A_644 = arith.index_cast %mul3A_12 : i32 to index
      %get3A_645 = tpu.vector_load %arg6[%get3A_643, %get3A_644] {strides = array<i32>} : memref<64x128xf32, #tpu.memory_space<vmem>>, vector<1x16xf32>,
      %get3A_646 = vector.shape_cast %get3A_645 : vector<1x16xf32> to vector<16xf32>
      %mul3A_647 = arith.mulf %get3A_641, %get3A_646 : vector<16xf32>
      %add3A_648 = arith.addf %add3A_636, %mul3A_647 : vector<16xf32>
      %get3A_649 = arith.constant 53 : i32
      %get3A_650 = arith.index_cast %get3A_649 : i32 to index
      %get3A_651 = arith.index_cast %mul3A_12 : i32 to index
      %get3A_652 = tpu.vector_load %arg5[%get3A_650, %get3A_651] {strides = array<i32>} : memref<64x128xf32, #tpu.memory_space<vmem>>, vector<1x16xf32>,
      %get3A_653 = vector.shape_cast %get3A_652 : vector<1x16xf32> to vector<16xf32>
      %get3A_654 = arith.constant 53 : i32
      %get3A_655 = arith.index_cast %get3A_654 : i32 to index
      %get3A_656 = arith.index_cast %mul3A_12 : i32 to index
      %get3A_657 = tpu.vector_load %arg6[%get3A_655, %get3A_656] {strides = array<i32>} : memref<64x128xf32, #tpu.memory_space<vmem>>, vector<1x16xf32>,
      %get3A_658 = vector.shape_cast %get3A_657 : vector<1x16xf32> to vector<16xf32>
      %mul3A_659 = arith.mulf %get3A_653, %get3A_658 : vector<16xf32>
      %add3A_660 = arith.addf %add3A_648, %mul3A_659 : vector<16xf32>
      %get3A_661 = arith.constant 54 : i32
      %get3A_662 = arith.index_cast %get3A_661 : i32 to index
      %get3A_663 = arith.index_cast %mul3A_12 : i32 to index
      %get3A_664 = tpu.vector_load %arg5[%get3A_662, %get3A_663] {strides = array<i32>} : memref<64x128xf32, #tpu.memory_space<vmem>>, vector<1x16xf32>,
      %get3A_665 = vector.shape_cast %get3A_664 : vector<1x16xf32> to vector<16xf32>
      %get3A_666 = arith.constant 54 : i32
      %get3A_667 = arith.index_cast %get3A_666 : i32 to index
      %get3A_668 = arith.index_cast %mul3A_12 : i32 to index
      %get3A_669 = tpu.vector_load %arg6[%get3A_667, %get3A_668] {strides = array<i32>} : memref<64x128xf32, #tpu.memory_space<vmem>>, vector<1x16xf32>,
      %get3A_670 = vector.shape_cast %get3A_669 : vector<1x16xf32> to vector<16xf32>
      %mul3A_671 = arith.mulf %get3A_665, %get3A_670 : vector<16xf32>
      %add3A_672 = arith.addf %add3A_660, %mul3A_671 : vector<16xf32>
      %get3A_673 = arith.constant 55 : i32
      %get3A_674 = arith.index_cast %get3A_673 : i32 to index
      %get3A_675 = arith.index_cast %mul3A_12 : i32 to index
      %get3A_676 = tpu.vector_load %arg5[%get3A_674, %get3A_675] {strides = array<i32>} : memref<64x128xf32, #tpu.memory_space<vmem>>, vector<1x16xf32>,
      %get3A_677 = vector.shape_cast %get3A_676 : vector<1x16xf32> to vector<16xf32>
      %get3A_678 = arith.constant 55 : i32
      %get3A_679 = arith.index_cast %get3A_678 : i32 to index
      %get3A_680 = arith.index_cast %mul3A_12 : i32 to index
      %get3A_681 = tpu.vector_load %arg6[%get3A_679, %get3A_680] {strides = array<i32>} : memref<64x128xf32, #tpu.memory_space<vmem>>, vector<1x16xf32>,
      %get3A_682 = vector.shape_cast %get3A_681 : vector<1x16xf32> to vector<16xf32>
      %mul3A_683 = arith.mulf %get3A_677, %get3A_682 : vector<16xf32>
      %add3A_684 = arith.addf %add3A_672, %mul3A_683 : vector<16xf32>
      %get3A_685 = arith.constant 56 : i32
      %get3A_686 = arith.index_cast %get3A_685 : i32 to index
      %get3A_687 = arith.index_cast %mul3A_12 : i32 to index
      %get3A_688 = tpu.vector_load %arg5[%get3A_686, %get3A_687] {strides = array<i32>} : memref<64x128xf32, #tpu.memory_space<vmem>>, vector<1x16xf32>,
      %get3A_689 = vector.shape_cast %get3A_688 : vector<1x16xf32> to vector<16xf32>
      %get3A_690 = arith.constant 56 : i32
      %get3A_691 = arith.index_cast %get3A_690 : i32 to index
      %get3A_692 = arith.index_cast %mul3A_12 : i32 to index
      %get3A_693 = tpu.vector_load %arg6[%get3A_691, %get3A_692] {strides = array<i32>} : memref<64x128xf32, #tpu.memory_space<vmem>>, vector<1x16xf32>,
      %get3A_694 = vector.shape_cast %get3A_693 : vector<1x16xf32> to vector<16xf32>
      %mul3A_695 = arith.mulf %get3A_689, %get3A_694 : vector<16xf32>
      %add3A_696 = arith.addf %add3A_684, %mul3A_695 : vector<16xf32>
      %get3A_697 = arith.constant 57 : i32
      %get3A_698 = arith.index_cast %get3A_697 : i32 to index
      %get3A_699 = arith.index_cast %mul3A_12 : i32 to index
      %get3A_700 = tpu.vector_load %arg5[%get3A_698, %get3A_699] {strides = array<i32>} : memref<64x128xf32, #tpu.memory_space<vmem>>, vector<1x16xf32>,
      %get3A_701 = vector.shape_cast %get3A_700 : vector<1x16xf32> to vector<16xf32>
      %get3A_702 = arith.constant 57 : i32
      %get3A_703 = arith.index_cast %get3A_702 : i32 to index
      %get3A_704 = arith.index_cast %mul3A_12 : i32 to index
      %get3A_705 = tpu.vector_load %arg6[%get3A_703, %get3A_704] {strides = array<i32>} : memref<64x128xf32, #tpu.memory_space<vmem>>, vector<1x16xf32>,
      %get3A_706 = vector.shape_cast %get3A_705 : vector<1x16xf32> to vector<16xf32>
      %mul3A_707 = arith.mulf %get3A_701, %get3A_706 : vector<16xf32>
      %add3A_708 = arith.addf %add3A_696, %mul3A_707 : vector<16xf32>
      %get3A_709 = arith.constant 58 : i32
      %get3A_710 = arith.index_cast %get3A_709 : i32 to index
      %get3A_711 = arith.index_cast %mul3A_12 : i32 to index
      %get3A_712 = tpu.vector_load %arg5[%get3A_710, %get3A_711] {strides = array<i32>} : memref<64x128xf32, #tpu.memory_space<vmem>>, vector<1x16xf32>,
      %get3A_713 = vector.shape_cast %get3A_712 : vector<1x16xf32> to vector<16xf32>
      %get3A_714 = arith.constant 58 : i32
      %get3A_715 = arith.index_cast %get3A_714 : i32 to index
      %get3A_716 = arith.index_cast %mul3A_12 : i32 to index
      %get3A_717 = tpu.vector_load %arg6[%get3A_715, %get3A_716] {strides = array<i32>} : memref<64x128xf32, #tpu.memory_space<vmem>>, vector<1x16xf32>,
      %get3A_718 = vector.shape_cast %get3A_717 : vector<1x16xf32> to vector<16xf32>
      %mul3A_719 = arith.mulf %get3A_713, %get3A_718 : vector<16xf32>
      %add3A_720 = arith.addf %add3A_708, %mul3A_719 : vector<16xf32>
      %get3A_721 = arith.constant 59 : i32
      %get3A_722 = arith.index_cast %get3A_721 : i32 to index
      %get3A_723 = arith.index_cast %mul3A_12 : i32 to index
      %get3A_724 = tpu.vector_load %arg5[%get3A_722, %get3A_723] {strides = array<i32>} : memref<64x128xf32, #tpu.memory_space<vmem>>, vector<1x16xf32>,
      %get3A_725 = vector.shape_cast %get3A_724 : vector<1x16xf32> to vector<16xf32>
      %get3A_726 = arith.constant 59 : i32
      %get3A_727 = arith.index_cast %get3A_726 : i32 to index
      %get3A_728 = arith.index_cast %mul3A_12 : i32 to index
      %get3A_729 = tpu.vector_load %arg6[%get3A_727, %get3A_728] {strides = array<i32>} : memref<64x128xf32, #tpu.memory_space<vmem>>, vector<1x16xf32>,
      %get3A_730 = vector.shape_cast %get3A_729 : vector<1x16xf32> to vector<16xf32>
      %mul3A_731 = arith.mulf %get3A_725, %get3A_730 : vector<16xf32>
      %add3A_732 = arith.addf %add3A_720, %mul3A_731 : vector<16xf32>
      %get3A_733 = arith.constant 60 : i32
      %get3A_734 = arith.index_cast %get3A_733 : i32 to index
      %get3A_735 = arith.index_cast %mul3A_12 : i32 to index
      %get3A_736 = tpu.vector_load %arg5[%get3A_734, %get3A_735] {strides = array<i32>} : memref<64x128xf32, #tpu.memory_space<vmem>>, vector<1x16xf32>,
      %get3A_737 = vector.shape_cast %get3A_736 : vector<1x16xf32> to vector<16xf32>
      %get3A_738 = arith.constant 60 : i32
      %get3A_739 = arith.index_cast %get3A_738 : i32 to index
      %get3A_740 = arith.index_cast %mul3A_12 : i32 to index
      %get3A_741 = tpu.vector_load %arg6[%get3A_739, %get3A_740] {strides = array<i32>} : memref<64x128xf32, #tpu.memory_space<vmem>>, vector<1x16xf32>,
      %get3A_742 = vector.shape_cast %get3A_741 : vector<1x16xf32> to vector<16xf32>
      %mul3A_743 = arith.mulf %get3A_737, %get3A_742 : vector<16xf32>
      %add3A_744 = arith.addf %add3A_732, %mul3A_743 : vector<16xf32>
      %get3A_745 = arith.constant 61 : i32
      %get3A_746 = arith.index_cast %get3A_745 : i32 to index
      %get3A_747 = arith.index_cast %mul3A_12 : i32 to index
      %get3A_748 = tpu.vector_load %arg5[%get3A_746, %get3A_747] {strides = array<i32>} : memref<64x128xf32, #tpu.memory_space<vmem>>, vector<1x16xf32>,
      %get3A_749 = vector.shape_cast %get3A_748 : vector<1x16xf32> to vector<16xf32>
      %get3A_750 = arith.constant 61 : i32
      %get3A_751 = arith.index_cast %get3A_750 : i32 to index
      %get3A_752 = arith.index_cast %mul3A_12 : i32 to index
      %get3A_753 = tpu.vector_load %arg6[%get3A_751, %get3A_752] {strides = array<i32>} : memref<64x128xf32, #tpu.memory_space<vmem>>, vector<1x16xf32>,
      %get3A_754 = vector.shape_cast %get3A_753 : vector<1x16xf32> to vector<16xf32>
      %mul3A_755 = arith.mulf %get3A_749, %get3A_754 : vector<16xf32>
      %add3A_756 = arith.addf %add3A_744, %mul3A_755 : vector<16xf32>
      %get3A_757 = arith.constant 62 : i32
      %get3A_758 = arith.index_cast %get3A_757 : i32 to index
      %get3A_759 = arith.index_cast %mul3A_12 : i32 to index
      %get3A_760 = tpu.vector_load %arg5[%get3A_758, %get3A_759] {strides = array<i32>} : memref<64x128xf32, #tpu.memory_space<vmem>>, vector<1x16xf32>,
      %get3A_761 = vector.shape_cast %get3A_760 : vector<1x16xf32> to vector<16xf32>
      %get3A_762 = arith.constant 62 : i32
      %get3A_763 = arith.index_cast %get3A_762 : i32 to index
      %get3A_764 = arith.index_cast %mul3A_12 : i32 to index
      %get3A_765 = tpu.vector_load %arg6[%get3A_763, %get3A_764] {strides = array<i32>} : memref<64x128xf32, #tpu.memory_space<vmem>>, vector<1x16xf32>,
      %get3A_766 = vector.shape_cast %get3A_765 : vector<1x16xf32> to vector<16xf32>
      %mul3A_767 = arith.mulf %get3A_761, %get3A_766 : vector<16xf32>
      %add3A_768 = arith.addf %add3A_756, %mul3A_767 : vector<16xf32>
      %get3A_769 = arith.constant 63 : i32
      %get3A_770 = arith.index_cast %get3A_769 : i32 to index
      %get3A_771 = arith.index_cast %mul3A_12 : i32 to index
      %get3A_772 = tpu.vector_load %arg5[%get3A_770, %get3A_771] {strides = array<i32>} : memref<64x128xf32, #tpu.memory_space<vmem>>, vector<1x16xf32>,
      %get3A_773 = vector.shape_cast %get3A_772 : vector<1x16xf32> to vector<16xf32>
      %get3A_774 = arith.constant 63 : i32
      %get3A_775 = arith.index_cast %get3A_774 : i32 to index
      %get3A_776 = arith.index_cast %mul3A_12 : i32 to index
      %get3A_777 = tpu.vector_load %arg6[%get3A_775, %get3A_776] {strides = array<i32>} : memref<64x128xf32, #tpu.memory_space<vmem>>, vector<1x16xf32>,
      %get3A_778 = vector.shape_cast %get3A_777 : vector<1x16xf32> to vector<16xf32>
      %mul3A_779 = arith.mulf %get3A_773, %get3A_778 : vector<16xf32>
      %add3A_780 = arith.addf %add3A_768, %mul3A_779 : vector<16xf32>
      %swap3A = arith.index_cast %mul3A_12 : i32 to index
      %swap3A_781 = tpu.vector_load %arg7[%swap3A] {strides = array<i32>} : memref<128xf32, #tpu.memory_space<vmem>>, vector<16xf32>,
      %swap3A_782 = vector.shape_cast %swap3A_781 : vector<16xf32> to vector<16xf32>
      %swap3A_783 = vector.shape_cast %add3A_780 : vector<16xf32> to vector<16xf32>
      tpu.vector_store %arg7[%swap3A], %swap3A_783 {strides = array<i32>} : memref<128xf32, #tpu.memory_space<vmem>>, vector<16xf32>,
      %scan3A_784 = arith.constant 0 : i32
      scf.yield %scan3A_784 : i32
    }
    %scan3A_8 = arith.constant 8 : i32
    "tpu.region"() ({
      %run_scoped3A = tpu.sem_alloc : memref<!tpu.dma_semaphore, #tpu.memory_space<semaphore_mem>>
      %dma_start3A = tpu.memref_slice %arg4[%mul3A_2] : memref<4096xf32, #tpu.memory_space<hbm>> -> memref<128xf32, #tpu.memory_space<hbm>>
      %dma_start3A_9 = tpu.memref_slice %arg4[%mul3A_2] : memref<4096xf32, #tpu.memory_space<hbm>> -> memref<128xf32, #tpu.memory_space<hbm>>
      tpu.enqueue_dma source(%arg7 : memref<128xf32, #tpu.memory_space<vmem>>) target(%dma_start3A_9 : memref<128xf32, #tpu.memory_space<hbm>>) target_semaphore(%run_scoped3A : memref<!tpu.dma_semaphore, #tpu.memory_space<semaphore_mem>>)
      %dma_wait3A = tpu.memref_slice %arg4[%mul3A_2] : memref<4096xf32, #tpu.memory_space<hbm>> -> memref<128xf32, #tpu.memory_space<hbm>>
      %dma_wait3A_10 = tpu.memref_slice %arg4[%mul3A_2] : memref<4096xf32, #tpu.memory_space<hbm>> -> memref<128xf32, #tpu.memory_space<hbm>>
      tpu.wait_dma2 semaphore(%run_scoped3A : memref<!tpu.dma_semaphore, #tpu.memory_space<semaphore_mem>>) src(%arg7 : memref<128xf32, #tpu.memory_space<vmem>>) dst(%dma_wait3A_10 : memref<128xf32, #tpu.memory_space<hbm>>)
      tpu.yield
    }) : () -> ()
    return
  }
}

module attributes {stable_mosaic.version = 14 : i64} {
  func.func @_tc_body(%arg0: i32, %arg1: memref<64x2048xf32, #tpu.memory_space<vmem>>, %arg2: memref<64x2048xf32, #tpu.memory_space<vmem>>, %arg3: memref<2048xf32, #tpu.memory_space<vmem>>) attributes {dimension_semantics = [#tpu.dimension_semantics<arbitrary>], iteration_bounds = array<i64: 6>, scalar_prefetch = 0 : i64, scratch_operands = 0 : i64, tpu.core_type = #tpu.core_type<tc>, window_params = [{transform_indices = @transform_0, window_bounds = array<i64: 64, 2048>}, {transform_indices = @transform_1, window_bounds = array<i64: 64, 2048>}, {transform_indices = @transform_2, window_bounds = array<i64: 2048>}]} {
    %get3A = arith.constant 0 : index
    %get3A_0 = arith.constant 0 : index
    %get3A_1 = vector.load %arg1[%get3A, %get3A_0] : memref<64x2048xf32, #tpu.memory_space<vmem>>, vector<64x2048xf32>
    %get3A_2 = arith.constant 0 : index
    %get3A_3 = arith.constant 0 : index
    %get3A_4 = vector.load %arg2[%get3A_2, %get3A_3] : memref<64x2048xf32, #tpu.memory_space<vmem>>, vector<64x2048xf32>
    %mul3A = arith.mulf %get3A_1, %get3A_4 : vector<64x2048xf32>
    %reduce_sum3A = arith.constant dense<0.000000e+00> : vector<2048xf32>
    %reduce_sum3A_5 = vector.multi_reduction <add>, %mul3A, %reduce_sum3A [0] : vector<64x2048xf32> to vector<2048xf32>
    %swap3A = arith.constant 0 : index
    %swap3A_6 = vector.load %arg3[%swap3A] : memref<2048xf32, #tpu.memory_space<vmem>>, vector<2048xf32>
    tpu.vector_store %arg3[%swap3A], %reduce_sum3A_5 {strides = array<i32>} : memref<2048xf32, #tpu.memory_space<vmem>>, vector<2048xf32>,
    return
  }
  func.func @transform_0(%arg0: i32) -> (i32, i32) {
    %add3A = arith.constant 2 : i32
    %add3A_0 = arith.addi %arg0, %add3A : i32
    %c0_i32 = arith.constant 0 : i32
    %c0_i32_1 = arith.constant 0 : i32
    return %c0_i32, %add3A_0 : i32, i32
  }
  func.func @transform_1(%arg0: i32) -> (i32, i32) {
    %add3A = arith.constant 2 : i32
    %add3A_0 = arith.addi %arg0, %add3A : i32
    %c0_i32 = arith.constant 0 : i32
    %c0_i32_1 = arith.constant 0 : i32
    return %c0_i32, %add3A_0 : i32, i32
  }
  func.func @transform_2(%arg0: i32) -> i32 {
    %c0_i32 = arith.constant 0 : i32
    return %arg0 : i32
  }
}

</mosaic_0001>

<sc_bundles>
// kernel: kernel.4.cloned.1.call-start
scs
__scs_entry_jumppad:
0x0: {  	(pc) =	sbr.rel $0x88, $3  }
0x1: {  	(tag) =	ssettag $0x0;
	lr =	simm.s32 $0x1  }
0x2: {  	[smem:$0x3F9F] =	sst lr;
	_ =	strace $0xD0000000  }
0x3: {  	_ = 	snop  }
0x4: {  	_ = 	snop  }
0x5: {  	_ = 	snop  }
0x6: {  	_ = 	snop  }
0x7: {  	_ = 	snop  }
__scs_overlays_trampoline_lowered:
0x8: {  	[smem:$0x3FAE] =	sst s0  }
0x9: {  	[smem:$0x3FAF] =	sst s1  }
0xa: {  	[smem:$0x3FB0] =	sst s2  }
0xb: {  	[smem:$0x3FB1] =	sst s3  }
0xc: {  	[smem:$0x3FB2] =	sst s4  }
0xd: {  	[smem:$0x3FB3] =	sst s5  }
0xe: {  	[smem:$0x3FB4] =	sst s6  }
0xf: {  	[smem:$0x3FB5] =	sst s7  }
0x10: {  	[smem:$0x3FB6] =	sst s8  }
0x11: {  	[smem:$0x3FB7] =	sst s9;
	s0 =	simm.s32 @!p0 $0x0  }
0x12: {  	s1 =	sld [smem:$0x3F9D];
	s0 =	simm.s32 @p0 $0x1  }
0x13: {  	[smem:$0x3FB8] =	sst s0;
	s0 =	simm.s32 @!p1 $0x0  }
0x14: {  	s2 =	sld [smem:$0x3F9C];
	s0 =	simm.s32 @p1 $0x1  }
0x15: {  	[smem:$0x3FB9] =	sst s0;
	s0 =	simm.s32 @!p2 $0x0  }
0x16: {  	s3 =	sld [smem:$0x3FDB];
	s0 =	simm.s32 @p2 $0x1  }
0x17: {  	s4 =	simm.s32 $0x1BF5;
	[smem:$0x3FBB] =	sst s0  }
0x18: {  	s0 =	sld [smem:$0x3F9E];
	_ =	swait.ge [sflag:s4], $0x0  }
0x19: {  	s7 =	sld [smem:$0x3F9F]  }
0x1a: {  	s8 =	sadd.s32 $0xFFFFE003, lr  }
0x1b: {  	s9 =	sadd.s32 $0xFFFFFEF7, lr;
	s5 =	simm.s32 $0xFFFFFFFF;
	p2 =	slt.u32 s8, $0xFFFFF086  }
0x1c: {  	p1 =	slt.u32 s9, $0xF7A;
	s5 =	simm.s32 @!p2 $0x0  }
0x1d: {  	s5 =	simm.s32 @p1 $0x1;
	p0 =	seq.s32 s7, s2  }
0x1e: {  	s7 =	smul.u32 @!p0 $0xF7A, s2;
	p2 =	seq.s32 @!p0 s5, $0x0  }
0x1f: {  	s9 =	smul.u32 $0xF7A, s1;
	s8 =	simm.s32 @!p0 $0x1BF5;
	p2 =	por !p2, p0  }
0x20: {  	[sflag:s8] =	ssyncset.s32 @!p0 $0xFFFFF086;
	s6 =	sadd.s32 @!p0 s3, s7;
	s7 =	simm.s32 @!p0 $0x108  }
0x21: {  	s3 =	sadd.s32 s3, s9;
	s6 =	sadd.s32 @!p0 $0x88, s6;
	s7 =	simm.s32 @p2 $0x1082  }
0x22: {  	[simem:s7], [sflag:s8] =	dma.local @!p0 [hbm:s6], $0xF7A  }
0x23: {  	s9 =	sor.u32 $0xD0000000, s2;
	s6 =	simm.s32 $0x108;
	_ =	swait.ge @!p0 [sflag:s8], $0x0  }
0x24: {  	s3 =	sadd.s32 $0x88, s3;
	s6 =	simm.s32 @!p1 $0x1082;
	[sflag:s4] =	ssyncset.s32 $0xFFFFF086  }
0x25: {  	[simem:s6], [sflag:s4] =	dma.local [hbm:s3], $0xF7A  }
0x26: {  	[smem:$0x3F9F] =	sst s1;
	(tag) =	ssettag s2;
	_ =	strace s9  }
0x27: {  	s1 =	sld [smem:$0x3FAF]  }
0x28: {  	s2 =	sld [smem:$0x3FB0]  }
0x29: {  	s4 =	sld [smem:$0x3FB2]  }
0x2a: {  	p0 =	seq.s32 s5, $0x0;
	s5 =	sld [smem:$0x3FB3]  }
0x2b: {  	s6 =	sld [smem:$0x3FB4]  }
0x2c: {  	s7 =	sld [smem:$0x3FB5]  }
0x2d: {  	s3 =	simm.s32 $0x108;
	s8 =	sld [smem:$0x3FB6]  }
0x2e: {  	s3 =	simm.s32 @!p0 $0x1082;
	s9 =	sld [smem:$0x3FB7]  }
0x2f: {  	lr =	sadd.s32 s0, s3;
	s0 =	sld [smem:$0x3FAE]  }
0x30: {  	s3 =	sld [smem:$0x3FB1]  }
0x31: {  	[smem:$0x3FBA] =	sst s10  }
0x32: {  	s10 =	sld [smem:$0x3FB8];
	_ =	sdelay $0x3  }
0x33: {  	p0 =	seq.s32 s10, $0x1;
	s10 =	sld [smem:$0x3FBA];
	_ =	sdelay $0x3  }
0x34: {  	[smem:$0x3FBA] =	sst s10  }
0x35: {  	s10 =	sld [smem:$0x3FB9];
	_ =	sdelay $0x3  }
0x36: {  	p1 =	seq.s32 s10, $0x1;
	s10 =	sld [smem:$0x3FBA];
	_ =	sdelay $0x3  }
0x37: {  	[smem:$0x3FBA] =	sst s10  }
0x38: {  	s10 =	sld [smem:$0x3FBB]  }
0x39: {  	_ = 	snop;
	(pc) =	sbr.ind lr, $3  }
0x3a: {  	_ = 	snop  }
0x3b: {  	_ = 	snop  }
0x3c: {  	p2 =	seq.s32 s10, $0x1;
	s10 =	sld [smem:$0x3FBA]  }
0x3d: {  	_ =	shalt  }
0x3e: {  	_ =	shalt  }
0x3f: {  	_ =	shalt  }
0x40: {  	_ =	shalt  }
0x41: {  	_ =	shalt  }
0x42: {  	_ =	shalt  }
0x43: {  	_ =	shalt  }
0x44: {  	_ =	shalt  }
0x45: {  	_ =	shalt  }
0x46: {  	_ =	shalt  }
0x47: {  	_ =	shalt  }
0x48: {  	_ =	shalt  }
0x49: {  	_ =	shalt  }
0x4a: {  	_ =	shalt  }
0x4b: {  	_ =	shalt  }
0x4c: {  	_ =	shalt  }
0x4d: {  	_ =	shalt  }
0x4e: {  	_ =	shalt  }
0x4f: {  	_ =	shalt  }
0x50: {  	_ =	shalt  }
0x51: {  	_ =	shalt  }
0x52: {  	_ =	shalt  }
0x53: {  	_ =	shalt  }
0x54: {  	_ =	shalt  }
0x55: {  	_ =	shalt  }
0x56: {  	_ =	shalt  }
0x57: {  	_ =	shalt  }
0x58: {  	_ =	shalt  }
0x59: {  	_ =	shalt  }
0x5a: {  	_ =	shalt  }
0x5b: {  	_ =	shalt  }
0x5c: {  	_ =	shalt  }
0x5d: {  	_ =	shalt  }
0x5e: {  	_ =	shalt  }
0x5f: {  	_ =	shalt  }
0x60: {  	_ =	shalt  }
0x61: {  	_ =	shalt  }
0x62: {  	_ =	shalt  }
0x63: {  	_ =	shalt  }
0x64: {  	_ =	shalt  }
0x65: {  	_ =	shalt  }
0x66: {  	_ =	shalt  }
0x67: {  	_ =	shalt  }
0x68: {  	_ =	shalt  }
0x69: {  	_ =	shalt  }
0x6a: {  	_ =	shalt  }
0x6b: {  	_ =	shalt  }
0x6c: {  	_ =	shalt  }
0x6d: {  	_ =	shalt  }
0x6e: {  	_ =	shalt  }
0x6f: {  	_ =	shalt  }
0x70: {  	_ =	shalt  }
0x71: {  	_ =	shalt  }
0x72: {  	_ =	shalt  }
0x73: {  	_ =	shalt  }
0x74: {  	_ =	shalt  }
0x75: {  	_ =	shalt  }
0x76: {  	_ =	shalt  }
0x77: {  	_ =	shalt  }
0x78: {  	_ =	shalt  }
0x79: {  	_ =	shalt  }
0x7a: {  	_ =	shalt  }
0x7b: {  	_ =	shalt  }
0x7c: {  	_ =	shalt  }
0x7d: {  	_ =	shalt  }
0x7e: {  	_ =	shalt  }
0x7f: {  	_ =	shalt  }
0x80: {  	_ =	shalt  }
0x81: {  	_ =	shalt  }
0x82: {  	_ =	shalt  }
0x83: {  	_ =	shalt  }
0x84: {  	_ =	shalt  }
0x85: {  	_ =	shalt  }
0x86: {  	_ =	shalt  }
0x87: {  	_ =	shalt  }
.Lfunc_end0:
.L_simem_size_0:
called_computation_lowered:
.L_overlay_start_0:
0x88: {  	s2 =	sld [smem:$0x3FD9]  }
0x89: {  	s3 =	sld [smem:$0x3FFE];
	_ =	sdelay $0x1  }
0x8a: {  	s1 =	srdreg.scid  }
0x8b: {  	s0 =	sand.u32 $0x1, s1  }
0x8c: {  	s15 =	sshll.u32 s0, $0xA;
	s2 =	sadd.s32 s3, s2  }
0x8d: {  	s2 =	sadd.s32 s2, s15  }
0x8e: {  	[smem:$0x3FC6] =	sst s2  }
0x8f: {  	_ = 	snop  }
0x90: {  	s2 =	sld [smem:$0x3FD0];
	_ =	sdelay $0x1  }
0x91: {  	s16 =	sld [smem:$0x3FC9]  }
0x92: {  	s5 =	simm.s32 $0xA;
	s6 =	simm.s32 $0x10;
	s4 =	sld [smem:$0x3FC8]  }
0x93: {  	[smem:s6], [sflag:s5] =	dma.local [hbm:s2], $0x1  }
0x94: {  	_ =	swait.eq [sflag:s5], $0x1  }
0x95: {  	[sflag:s5] =	ssyncset.done $0x0  }
0x96: {  	[sflag:s5] =	ssyncadd.s32 $0xFFFFFFFF  }
0x97: {  	s17 =	sld [smem:$0x12];
	(tm) =	ssettm $0x1  }
0x98: {  	s18 =	sld [smem:$0x3FFB];
	_ =	sdelay $0x3  }
0x99: {  	_ =	strace s18  }
0x9a: {  	s5 =	sld [smem:$0x3FFC];
	_ =	sdelay $0x3  }
0x9b: {  	_ =	strace s5  }
0x9c: {  	s5 =	sld [smem:$0x3FFD];
	_ =	sdelay $0x3  }
0x9d: {  	_ =	strace s5  }
0x9e: {  	_ =	strace $0x8FFFFFFF  }
0x9f: {  	s19 =	sld [smem:$0x3FDB];
	_ =	sdelay $0x1  }
0xa0: {  	s20 =	simm.s32 $_scs_section_size  }
0xa1: {  	s7 =	simm.s32 $_size__tile_overlayer_lowered;
	s8 =	simm.s32 $_tile_overlayer_lowered  }
0xa2: {  	s23 =	simm.s32 $0x1BFF;
	s22 =	sshll.u32 s8, $0x1;
	s5 =	sadd.s32 s20, s19  }
0xa3: {  	s9 =	simm.s32 $0x0;
	s21 =	sshll.u32 s7, $0x1;
	s7 =	sadd.s32 s22, s5  }
0xa4: {  	[timem:s9], [sflag:s23] =	dma.local [hbm:s7], s21  }
0xa5: {  	_ =	swait.ge [sflag:s23], s21  }
0xa6: {  	s6 =	ssub.s32 $0x0, s21;
	[sflag:s23] =	ssyncset.done $0x0  }
0xa7: {  	[sflag:s23] =	ssyncadd.s32 s6;
	_ =	sdelay $0x1  }
0xa8: {  	s24 =	simm.s32 $0x1B8B  }
0xa9: {  	_ =	swait.ge [sflag:s24], $0x1  }
0xaa: {  	[sflag:s24] =	ssyncset.done $0x0  }
0xab: {  	s25 =	simm.s32 $0x1B8E;
	[sflag:s24] =	ssyncadd.s32 $0xFFFFFFFF  }
0xac: {  	s26 =	simm.s32 $execute0_lowered;
	[smem:$0x3FD2] =	sst s25  }
0xad: {  	s6 =	sshll.u32 s26, $0x1;
	_ =	strace $0x80000046;
	[dreg:$0x1] =	wrdreg $0xFFFFFFFF  }
0xae: {  	s28 =	simm.s32 $_size_execute0_lowered;
	s5 =	sadd.s32 s5, s6;
	[dreg:$0x0] =	wrdreg $0x0  }
0xaf: {  	s6 =	sshll.u32 s28, $0x1;
	[dreg:$0x2] =	wrdreg s5  }
0xb0: {  	[dreg:$0x3] =	wrdreg s6  }
0xb1: {  	[dreg:$0x4] =	wrdreg $0xC0  }
0xb2: {  	_ =	task [dreg:s9], $0x5FFFF  }
0xb3: {  	[dreg:$0x1] =	wrdreg $0xFFFFFFFF  }
0xb4: {  	[dreg:$0x0] =	wrdreg $0x60  }
0xb5: {  	[dreg:$0x2] =	wrdreg s16  }
0xb6: {  	[dreg:$0x3] =	wrdreg s4  }
0xb7: {  	[dreg:$0x4] =	wrdreg s17  }
0xb8: {  	[dreg:$0x5] =	wrdreg $0x9  }
0xb9: {  	_ =	task.clear_ibuf [dreg:s9], $0x6FFFF;
	_ =	strace $0x90000046  }
0xba: {  	s29 =	simm.s32 $0x9;
	_ =	strace $0x80000048  }
0xbb: {  	_ =	swait.ge [sflag:s29], $0x1  }
0xbc: {  	[sflag:s29] =	ssyncadd.s32 $0xFFFFFFFF  }
0xbd: {  	_ =	strace $0x90000048  }
0xbe: {  	_ =	sfence  }
0xbf: {  	s30 =	sld [smem:$0x0];
	_ =	sdelay $0x2  }
0xc0: {  	s31 =	sshll.u32 s1, $0xD;
	s1 =	sshrl.u32 s1, $0x2  }
0xc1: {  	s3 =	sand.u32 $0x4000, s31;
	s1 =	sadd.s32 s1, s30  }
0xc2: {  	s0 =	sor.u32 s3, s0;
	s1 =	sshll.u32 s1, $0x11  }
0xc3: {  	s0 =	sor.u32 s1, s0  }
0xc4: {  	s0 =	sadd.s32 $0x8F2B, s0  }
0xc5: {  	[sflag:s0] =	ssyncadd.remote.s32 $0x1  }
0xc6: {  	_ =	sfence.sel $0xFFFF  }
0xc7: {  	[dreg:$0x0] =	wrdreg $0xFFFFFFFF;
	(pc) =	sbr.abs _section_cstart, $3  }
0xc8: {  	[dreg:$0x1] =	wrdreg $0xFFFFFFFF  }
0xc9: {  	_ =	task.clear_ibuf [dreg:s9], $0x2FFFF;
	_ =	strace $0x9FFFFFFF  }
0xca: {  	(tm) =	ssettm $0x7FFFFFFF  }
0xcb: {  	_ =	shalt  }
tec
execute0_lowered:
.L_overlay_start_1:
0x0: {  	(tag) =	ssettag $0x1  }
0x1: {  	s3 =	rddreg [dreg:$0x0]  }
0x2: {  	s4 =	rddreg [dreg:$0x1]  }
0x3: {  	s5 =	rddreg [dreg:$0x2]  }
0x4: {  	s0 =	rddreg [dreg:$0x3]  }
0x5: {  	s6 =	srdreg.scid;
	s1 =	stileid.u32  }
0x6: {  	s2 =	simm.s32 $0x0;
	s10 =	simm.s32 $0x2000;
	s11 =	simm.s32 $0x4000  }
0x7: {  	s12 =	simm.s32 $0x0;
	s6 =	sand.u32 $0x1, s6;
	s7 =	sshll.u32 s1, $0x1  }
0x8: {  	[smem:$0x7FF] =	sst s2;
	s8 =	ssub.s32 $0x2, s6;
	s6 =	sor.u32 s6, s7  }
0x9: {  	_ =	strace $0x80000047;
	s31 =	sshrl.u32 s8, $0x1;
	s9 =	sshll.u32 s6, $0x7  }
0xa: {  	s6 =	sshll.u32 s6, $0x4;
	s7 =	ssub.s32 s8, s31;
	s3 =	sadd.s32 s3, s9  }
0xb: {  	s4 =	sadd.s32 s4, s9;
	s5 =	sadd.s32 s5, s6;
	s8 =	simm.s32 $0x20000  }
0xc: {  	s9 =	simm.s32 $0x1;
	s6 =	smax.u32 s7, $0x1;
	s7 =	simm.s32 $0x400  }
.LBB2_1:
0xd: {  	[tilespmem:s2], [sflag:$0x1] =	stream.strided.gather [hbm4b:s3+s7], $0x2000, s8, s7, $0x38;
	[tilespmem:$0x4080] =	vst v63  }
0xe: {  	_ =	swait.ge [sflag:s9], $0x2000  }
0xf: {  	[sflag:s9] =	ssyncset.done $0x0  }
0x10: {  	[sflag:s9] =	ssyncadd.s32 $0xFFFFE000  }
0x11: {  	[tilespmem:s10], [sflag:$0x1] =	stream.strided.gather [hbm4b:s4+s7], $0x2000, s8, s7, $0x38;
	[tilespmem:$0x4080] =	vst v63  }
0x12: {  	_ =	swait.ge [sflag:s9], $0x2000  }
0x13: {  	[sflag:s9] =	ssyncset.done $0x0  }
0x14: {  	s13 =	simm.s32 $0x0;
	[sflag:s9] =	ssyncadd.s32 $0xFFFFE000  }
0x15: {  	v0 =	vld [tilespmem:s13+$0x0]  }
0x16: {  	v1 =	vld [tilespmem:s13+$0x2000]  }
0x17: {  	v2 =	vld [tilespmem:s13+$0x80]  }
0x18: {  	v3 =	vld [tilespmem:s13+$0x2080]  }
0x19: {  	v4 =	vld [tilespmem:s13+$0x100]  }
0x1a: {  	v5 =	vld [tilespmem:s13+$0x2100]  }
0x1b: {  	v6 =	vld [tilespmem:s13+$0x2180];
	v0 =	vmul.f32 v1, v0  }
0x1c: {  	v1 =	vld [tilespmem:s13+$0x180]  }
0x1d: {  	v7 =	vld [tilespmem:s13+$0x2200];
	v2 =	vmul.f32 v3, v2;
	v0 =	vadd.f32 $0.0e+00, v0  }
0x1e: {  	v3 =	vld [tilespmem:s13+$0x200]  }
0x1f: {  	v0 =	vadd.f32 v2, v0;
	v2 =	vmul.f32 v5, v4;
	v4 =	vld [tilespmem:s13+$0x280]  }
0x20: {  	v5 =	vld [tilespmem:s13+$0x2280]  }
0x21: {  	v1 =	vmul.f32 v6, v1;
	v6 =	vld [tilespmem:s13+$0x2300];
	v0 =	vadd.f32 v2, v0  }
0x22: {  	v2 =	vld [tilespmem:s13+$0x300]  }
0x23: {  	v0 =	vadd.f32 v1, v0;
	v1 =	vmul.f32 v7, v3;
	v3 =	vld [tilespmem:s13+$0x380]  }
0x24: {  	v7 =	vld [tilespmem:s13+$0x2380]  }
0x25: {  	v0 =	vadd.f32 v1, v0;
	v1 =	vmul.f32 v5, v4;
	v4 =	vld [tilespmem:s13+$0x400]  }
0x26: {  	v5 =	vld [tilespmem:s13+$0x2400]  }
0x27: {  	v0 =	vadd.f32 v1, v0;
	v1 =	vmul.f32 v6, v2;
	v2 =	vld [tilespmem:s13+$0x480]  }
0x28: {  	v6 =	vld [tilespmem:s13+$0x2480]  }
0x29: {  	v0 =	vadd.f32 v1, v0;
	v1 =	vmul.f32 v7, v3;
	v3 =	vld [tilespmem:s13+$0x500]  }
0x2a: {  	v7 =	vld [tilespmem:s13+$0x2500]  }
0x2b: {  	v0 =	vadd.f32 v1, v0;
	v1 =	vmul.f32 v5, v4;
	v4 =	vld [tilespmem:s13+$0x580]  }
0x2c: {  	v5 =	vld [tilespmem:s13+$0x2580]  }
0x2d: {  	v0 =	vadd.f32 v1, v0;
	v1 =	vmul.f32 v6, v2;
	v2 =	vld [tilespmem:s13+$0x600]  }
0x2e: {  	v6 =	vld [tilespmem:s13+$0x2600]  }
0x2f: {  	v0 =	vadd.f32 v1, v0;
	v1 =	vmul.f32 v7, v3;
	v3 =	vld [tilespmem:s13+$0x680]  }
0x30: {  	v7 =	vld [tilespmem:s13+$0x2680]  }
0x31: {  	v0 =	vadd.f32 v1, v0;
	v1 =	vmul.f32 v5, v4;
	v4 =	vld [tilespmem:s13+$0x700]  }
0x32: {  	v5 =	vld [tilespmem:s13+$0x2700]  }
0x33: {  	v0 =	vadd.f32 v1, v0;
	v1 =	vmul.f32 v6, v2;
	v2 =	vld [tilespmem:s13+$0x780]  }
0x34: {  	v6 =	vld [tilespmem:s13+$0x2780]  }
0x35: {  	v0 =	vadd.f32 v1, v0;
	v1 =	vmul.f32 v7, v3;
	v3 =	vld [tilespmem:s13+$0x800]  }
0x36: {  	v7 =	vld [tilespmem:s13+$0x2800]  }
0x37: {  	v0 =	vadd.f32 v1, v0;
	v1 =	vmul.f32 v5, v4;
	v4 =	vld [tilespmem:s13+$0x880]  }
0x38: {  	v5 =	vld [tilespmem:s13+$0x2880]  }
0x39: {  	v0 =	vadd.f32 v1, v0;
	v1 =	vmul.f32 v6, v2;
	v2 =	vld [tilespmem:s13+$0x900]  }
0x3a: {  	v6 =	vld [tilespmem:s13+$0x2900]  }
0x3b: {  	v0 =	vadd.f32 v1, v0;
	v1 =	vmul.f32 v7, v3;
	v3 =	vld [tilespmem:s13+$0x980]  }
0x3c: {  	v7 =	vld [tilespmem:s13+$0x2980]  }
0x3d: {  	v0 =	vadd.f32 v1, v0;
	v1 =	vmul.f32 v5, v4;
	v4 =	vld [tilespmem:s13+$0xA00]  }
0x3e: {  	v5 =	vld [tilespmem:s13+$0x2A00]  }
0x3f: {  	v0 =	vadd.f32 v1, v0;
	v1 =	vmul.f32 v6, v2;
	v2 =	vld [tilespmem:s13+$0xA80]  }
0x40: {  	v6 =	vld [tilespmem:s13+$0x2A80]  }
0x41: {  	v0 =	vadd.f32 v1, v0;
	v1 =	vmul.f32 v7, v3;
	v3 =	vld [tilespmem:s13+$0xB00]  }
0x42: {  	v7 =	vld [tilespmem:s13+$0x2B00]  }
0x43: {  	v0 =	vadd.f32 v1, v0;
	v1 =	vmul.f32 v5, v4;
	v4 =	vld [tilespmem:s13+$0xB80]  }
0x44: {  	v5 =	vld [tilespmem:s13+$0x2B80]  }
0x45: {  	v0 =	vadd.f32 v1, v0;
	v1 =	vmul.f32 v6, v2;
	v2 =	vld [tilespmem:s13+$0xC00]  }
0x46: {  	v6 =	vld [tilespmem:s13+$0x2C00]  }
0x47: {  	v0 =	vadd.f32 v1, v0;
	v1 =	vmul.f32 v7, v3;
	v3 =	vld [tilespmem:s13+$0xC80]  }
0x48: {  	v7 =	vld [tilespmem:s13+$0x2C80]  }
0x49: {  	v0 =	vadd.f32 v1, v0;
	v1 =	vmul.f32 v5, v4;
	v4 =	vld [tilespmem:s13+$0xD00]  }
0x4a: {  	v5 =	vld [tilespmem:s13+$0x2D00]  }
0x4b: {  	v0 =	vadd.f32 v1, v0;
	v1 =	vmul.f32 v6, v2;
	v2 =	vld [tilespmem:s13+$0xD80]  }
0x4c: {  	v6 =	vld [tilespmem:s13+$0x2D80]  }
0x4d: {  	v0 =	vadd.f32 v1, v0;
	v1 =	vmul.f32 v7, v3;
	v3 =	vld [tilespmem:s13+$0xE00]  }
0x4e: {  	v7 =	vld [tilespmem:s13+$0x2E00]  }
0x4f: {  	v0 =	vadd.f32 v1, v0;
	v1 =	vmul.f32 v5, v4;
	v4 =	vld [tilespmem:s13+$0xE80]  }
0x50: {  	v5 =	vld [tilespmem:s13+$0x2E80]  }
0x51: {  	v0 =	vadd.f32 v1, v0;
	v1 =	vmul.f32 v6, v2;
	v2 =	vld [tilespmem:s13+$0xF00]  }
0x52: {  	v6 =	vld [tilespmem:s13+$0x2F00]  }
0x53: {  	v0 =	vadd.f32 v1, v0;
	v1 =	vmul.f32 v7, v3;
	v3 =	vld [tilespmem:s13+$0xF80]  }
0x54: {  	v7 =	vld [tilespmem:s13+$0x2F80]  }
0x55: {  	v0 =	vadd.f32 v1, v0;
	v1 =	vmul.f32 v5, v4;
	v4 =	vld [tilespmem:s13+$0x1000]  }
0x56: {  	v5 =	vld [tilespmem:s13+$0x3000]  }
0x57: {  	v0 =	vadd.f32 v1, v0;
	v1 =	vmul.f32 v6, v2;
	v2 =	vld [tilespmem:s13+$0x1080]  }
0x58: {  	v6 =	vld [tilespmem:s13+$0x3080]  }
0x59: {  	v0 =	vadd.f32 v1, v0;
	v1 =	vmul.f32 v7, v3;
	v3 =	vld [tilespmem:s13+$0x1100]  }
0x5a: {  	v7 =	vld [tilespmem:s13+$0x3100]  }
0x5b: {  	v0 =	vadd.f32 v1, v0;
	v1 =	vmul.f32 v5, v4;
	v4 =	vld [tilespmem:s13+$0x1180]  }
0x5c: {  	v5 =	vld [tilespmem:s13+$0x3180]  }
0x5d: {  	v0 =	vadd.f32 v1, v0;
	v1 =	vmul.f32 v6, v2;
	v2 =	vld [tilespmem:s13+$0x1200]  }
0x5e: {  	v6 =	vld [tilespmem:s13+$0x3200]  }
0x5f: {  	v0 =	vadd.f32 v1, v0;
	v1 =	vmul.f32 v7, v3;
	v3 =	vld [tilespmem:s13+$0x1280]  }
0x60: {  	v7 =	vld [tilespmem:s13+$0x3280]  }
0x61: {  	v0 =	vadd.f32 v1, v0;
	v1 =	vmul.f32 v5, v4;
	v4 =	vld [tilespmem:s13+$0x1300]  }
0x62: {  	v5 =	vld [tilespmem:s13+$0x3300]  }
0x63: {  	v0 =	vadd.f32 v1, v0;
	v1 =	vmul.f32 v6, v2;
	v2 =	vld [tilespmem:s13+$0x1380]  }
0x64: {  	v6 =	vld [tilespmem:s13+$0x3380]  }
0x65: {  	v0 =	vadd.f32 v1, v0;
	v1 =	vmul.f32 v7, v3;
	v3 =	vld [tilespmem:s13+$0x1400]  }
0x66: {  	v7 =	vld [tilespmem:s13+$0x3400]  }
0x67: {  	v0 =	vadd.f32 v1, v0;
	v1 =	vmul.f32 v5, v4;
	v4 =	vld [tilespmem:s13+$0x1480]  }
0x68: {  	v5 =	vld [tilespmem:s13+$0x3480]  }
0x69: {  	v0 =	vadd.f32 v1, v0;
	v1 =	vmul.f32 v6, v2;
	v2 =	vld [tilespmem:s13+$0x1500]  }
0x6a: {  	v6 =	vld [tilespmem:s13+$0x3500]  }
0x6b: {  	v0 =	vadd.f32 v1, v0;
	v1 =	vmul.f32 v7, v3;
	v3 =	vld [tilespmem:s13+$0x1580]  }
0x6c: {  	v7 =	vld [tilespmem:s13+$0x3580]  }
0x6d: {  	v0 =	vadd.f32 v1, v0;
	v1 =	vmul.f32 v5, v4;
	v4 =	vld [tilespmem:s13+$0x1600]  }
0x6e: {  	v5 =	vld [tilespmem:s13+$0x3600]  }
0x6f: {  	v0 =	vadd.f32 v1, v0;
	v1 =	vmul.f32 v6, v2;
	v2 =	vld [tilespmem:s13+$0x1680]  }
0x70: {  	v6 =	vld [tilespmem:s13+$0x3680]  }
0x71: {  	v0 =	vadd.f32 v1, v0;
	v1 =	vmul.f32 v7, v3;
	v3 =	vld [tilespmem:s13+$0x1700]  }
0x72: {  	v7 =	vld [tilespmem:s13+$0x3700]  }
0x73: {  	v0 =	vadd.f32 v1, v0;
	v1 =	vmul.f32 v5, v4;
	v4 =	vld [tilespmem:s13+$0x1780]  }
0x74: {  	v5 =	vld [tilespmem:s13+$0x3780]  }
0x75: {  	v0 =	vadd.f32 v1, v0;
	v1 =	vmul.f32 v6, v2;
	v2 =	vld [tilespmem:s13+$0x1800]  }
0x76: {  	v6 =	vld [tilespmem:s13+$0x3800]  }
0x77: {  	v0 =	vadd.f32 v1, v0;
	v1 =	vmul.f32 v7, v3;
	v3 =	vld [tilespmem:s13+$0x1880]  }
0x78: {  	v7 =	vld [tilespmem:s13+$0x3880]  }
0x79: {  	v0 =	vadd.f32 v1, v0;
	v1 =	vmul.f32 v5, v4;
	v4 =	vld [tilespmem:s13+$0x1900]  }
0x7a: {  	v5 =	vld [tilespmem:s13+$0x3900]  }
0x7b: {  	v0 =	vadd.f32 v1, v0;
	v1 =	vmul.f32 v6, v2;
	v2 =	vld [tilespmem:s13+$0x1980]  }
0x7c: {  	v6 =	vld [tilespmem:s13+$0x3980]  }
0x7d: {  	v0 =	vadd.f32 v1, v0;
	v1 =	vmul.f32 v7, v3;
	v3 =	vld [tilespmem:s13+$0x1A00]  }
0x7e: {  	v7 =	vld [tilespmem:s13+$0x3A00]  }
0x7f: {  	v0 =	vadd.f32 v1, v0;
	v1 =	vmul.f32 v5, v4;
	v4 =	vld [tilespmem:s13+$0x1A80]  }
0x80: {  	v5 =	vld [tilespmem:s13+$0x3A80]  }
0x81: {  	v0 =	vadd.f32 v1, v0;
	v1 =	vmul.f32 v6, v2;
	v2 =	vld [tilespmem:s13+$0x1B00]  }
0x82: {  	v6 =	vld [tilespmem:s13+$0x3B00]  }
0x83: {  	v0 =	vadd.f32 v1, v0;
	v1 =	vmul.f32 v7, v3;
	v3 =	vld [tilespmem:s13+$0x1B80]  }
0x84: {  	v7 =	vld [tilespmem:s13+$0x3B80]  }
0x85: {  	v0 =	vadd.f32 v1, v0;
	v1 =	vmul.f32 v5, v4;
	v4 =	vld [tilespmem:s13+$0x1C00]  }
0x86: {  	v5 =	vld [tilespmem:s13+$0x3C00]  }
0x87: {  	v0 =	vadd.f32 v1, v0;
	v1 =	vmul.f32 v6, v2;
	v2 =	vld [tilespmem:s13+$0x1C80]  }
0x88: {  	v6 =	vld [tilespmem:s13+$0x3C80]  }
0x89: {  	v0 =	vadd.f32 v1, v0;
	v1 =	vmul.f32 v7, v3;
	v3 =	vld [tilespmem:s13+$0x1D00]  }
0x8a: {  	v7 =	vld [tilespmem:s13+$0x3D00]  }
0x8b: {  	v0 =	vadd.f32 v1, v0;
	v1 =	vmul.f32 v5, v4;
	v4 =	vld [tilespmem:s13+$0x1D80]  }
0x8c: {  	v5 =	vld [tilespmem:s13+$0x3D80]  }
0x8d: {  	v0 =	vadd.f32 v1, v0;
	v1 =	vmul.f32 v6, v2;
	v2 =	vld [tilespmem:s13+$0x1E00]  }
0x8e: {  	v6 =	vld [tilespmem:s13+$0x3E00]  }
0x8f: {  	v8 =	vld [tilespmem:s13+$0x3E80];
	v0 =	vadd.f32 v1, v0;
	v1 =	vmul.f32 v7, v3  }
0x90: {  	v7 =	vld [tilespmem:s13+$0x1E80]  }
0x91: {  	v3 =	vld [tilespmem:s13+$0x3F00];
	v4 =	vmul.f32 v5, v4;
	v1 =	vadd.f32 v1, v0  }
0x92: {  	v0 =	vld [tilespmem:s13+$0x1F00]  }
0x93: {  	v6 =	vmul.f32 v6, v2;
	v5 =	vadd.f32 v4, v1;
	v1 =	vld [tilespmem:s13+$0x1F80]  }
0x94: {  	s15 =	simm.s32 $0x10;
	v4 =	vld [tilespmem:s13+$0x3F80]  }
0x95: {  	s14 =	simm.s32 $0x80;
	v2 =	vld [tilespmem:s15+$0x0];
	v5 =	vadd.f32 v6, v5;
	v6 =	vmul.f32 v8, v7  }
.LBB2_2:
0x96: {  	p0 =	sne.s32 s14, $0x1C0;
	v7 =	vld [tilespmem:s15+$0x2000]  }
0x97: {  	v8 =	vld [tilespmem:s15+$0x80];
	v5 =	vadd.f32 v6, v5;
	v0 =	vmul.f32 v3, v0  }
0x98: {  	v3 =	vld [tilespmem:s15+$0x2080]  }
0x99: {  	v6 =	vld [tilespmem:s15+$0x100];
	v0 =	vadd.f32 v0, v5;
	v1 =	vmul.f32 v4, v1  }
0x9a: {  	v4 =	vld [tilespmem:s15+$0x2100]  }
0x9b: {  	v2 =	vmul.f32 v7, v2;
	v5 =	vld [tilespmem:s15+$0x180];
	v0 =	vadd.f32 v1, v0  }
0x9c: {  	v1 =	vld [tilespmem:s15+$0x2180]  }
0x9d: {  	v2 =	vadd.f32 $0.0e+00, v2;
	v3 =	vmul.f32 v3, v8;
	v7 =	vld [tilespmem:s15+$0x200];
	[tilespmem:s13+$0x4000] =	vst v0;
	s13 =	smov.u32 s15  }
0x9e: {  	v0 =	vld [tilespmem:s13+$0x2200]  }
0x9f: {  	v2 =	vadd.f32 v3, v2;
	v3 =	vmul.f32 v4, v6;
	v4 =	vld [tilespmem:s13+$0x280]  }
0xa0: {  	v6 =	vld [tilespmem:s13+$0x2280]  }
0xa1: {  	v2 =	vadd.f32 v3, v2;
	v1 =	vmul.f32 v1, v5;
	v3 =	vld [tilespmem:s13+$0x300]  }
0xa2: {  	v5 =	vld [tilespmem:s13+$0x2300]  }
0xa3: {  	v1 =	vadd.f32 v1, v2;
	v0 =	vmul.f32 v0, v7;
	v2 =	vld [tilespmem:s13+$0x380]  }
0xa4: {  	v7 =	vld [tilespmem:s13+$0x2380]  }
0xa5: {  	v0 =	vadd.f32 v0, v1;
	v1 =	vmul.f32 v6, v4;
	v4 =	vld [tilespmem:s13+$0x400]  }
0xa6: {  	v6 =	vld [tilespmem:s13+$0x2400]  }
0xa7: {  	v0 =	vadd.f32 v1, v0;
	v1 =	vmul.f32 v5, v3;
	v3 =	vld [tilespmem:s13+$0x480]  }
0xa8: {  	v5 =	vld [tilespmem:s13+$0x2480]  }
0xa9: {  	v0 =	vadd.f32 v1, v0;
	v1 =	vmul.f32 v7, v2;
	v2 =	vld [tilespmem:s13+$0x500]  }
0xaa: {  	v7 =	vld [tilespmem:s13+$0x2500]  }
0xab: {  	v0 =	vadd.f32 v1, v0;
	v1 =	vmul.f32 v6, v4;
	v4 =	vld [tilespmem:s13+$0x580]  }
0xac: {  	v6 =	vld [tilespmem:s13+$0x2580]  }
0xad: {  	v0 =	vadd.f32 v1, v0;
	v1 =	vmul.f32 v5, v3;
	v3 =	vld [tilespmem:s13+$0x600]  }
0xae: {  	v5 =	vld [tilespmem:s13+$0x2600]  }
0xaf: {  	v0 =	vadd.f32 v1, v0;
	v1 =	vmul.f32 v7, v2;
	v2 =	vld [tilespmem:s13+$0x680]  }
0xb0: {  	v7 =	vld [tilespmem:s13+$0x2680]  }
0xb1: {  	v0 =	vadd.f32 v1, v0;
	v1 =	vmul.f32 v6, v4;
	v4 =	vld [tilespmem:s13+$0x700]  }
0xb2: {  	v6 =	vld [tilespmem:s13+$0x2700]  }
0xb3: {  	v0 =	vadd.f32 v1, v0;
	v1 =	vmul.f32 v5, v3;
	v3 =	vld [tilespmem:s13+$0x780]  }
0xb4: {  	v5 =	vld [tilespmem:s13+$0x2780]  }
0xb5: {  	v0 =	vadd.f32 v1, v0;
	v1 =	vmul.f32 v7, v2;
	v2 =	vld [tilespmem:s13+$0x800]  }
0xb6: {  	v7 =	vld [tilespmem:s13+$0x2800]  }
0xb7: {  	v0 =	vadd.f32 v1, v0;
	v1 =	vmul.f32 v6, v4;
	v4 =	vld [tilespmem:s13+$0x880]  }
0xb8: {  	v6 =	vld [tilespmem:s13+$0x2880]  }
0xb9: {  	v0 =	vadd.f32 v1, v0;
	v1 =	vmul.f32 v5, v3;
	v3 =	vld [tilespmem:s13+$0x900]  }
0xba: {  	v5 =	vld [tilespmem:s13+$0x2900]  }
0xbb: {  	v0 =	vadd.f32 v1, v0;
	v1 =	vmul.f32 v7, v2;
	v2 =	vld [tilespmem:s13+$0x980]  }
0xbc: {  	v7 =	vld [tilespmem:s13+$0x2980]  }
0xbd: {  	v0 =	vadd.f32 v1, v0;
	v1 =	vmul.f32 v6, v4;
	v4 =	vld [tilespmem:s13+$0xA00]  }
0xbe: {  	v6 =	vld [tilespmem:s13+$0x2A00]  }
0xbf: {  	v0 =	vadd.f32 v1, v0;
	v1 =	vmul.f32 v5, v3;
	v3 =	vld [tilespmem:s13+$0xA80]  }
0xc0: {  	v5 =	vld [tilespmem:s13+$0x2A80]  }
0xc1: {  	v0 =	vadd.f32 v1, v0;
	v1 =	vmul.f32 v7, v2;
	v2 =	vld [tilespmem:s13+$0xB00]  }
0xc2: {  	v7 =	vld [tilespmem:s13+$0x2B00]  }
0xc3: {  	v0 =	vadd.f32 v1, v0;
	v1 =	vmul.f32 v6, v4;
	v4 =	vld [tilespmem:s13+$0xB80]  }
0xc4: {  	v6 =	vld [tilespmem:s13+$0x2B80]  }
0xc5: {  	v0 =	vadd.f32 v1, v0;
	v1 =	vmul.f32 v5, v3;
	v3 =	vld [tilespmem:s13+$0xC00]  }
0xc6: {  	v5 =	vld [tilespmem:s13+$0x2C00]  }
0xc7: {  	v0 =	vadd.f32 v1, v0;
	v1 =	vmul.f32 v7, v2;
	v2 =	vld [tilespmem:s13+$0xC80]  }
0xc8: {  	v7 =	vld [tilespmem:s13+$0x2C80]  }
0xc9: {  	v0 =	vadd.f32 v1, v0;
	v1 =	vmul.f32 v6, v4;
	v4 =	vld [tilespmem:s13+$0xD00]  }
0xca: {  	v6 =	vld [tilespmem:s13+$0x2D00]  }
0xcb: {  	v0 =	vadd.f32 v1, v0;
	v1 =	vmul.f32 v5, v3;
	v3 =	vld [tilespmem:s13+$0xD80]  }
0xcc: {  	v5 =	vld [tilespmem:s13+$0x2D80]  }
0xcd: {  	v0 =	vadd.f32 v1, v0;
	v1 =	vmul.f32 v7, v2;
	v2 =	vld [tilespmem:s13+$0xE00]  }
0xce: {  	v7 =	vld [tilespmem:s13+$0x2E00]  }
0xcf: {  	v0 =	vadd.f32 v1, v0;
	v1 =	vmul.f32 v6, v4;
	v4 =	vld [tilespmem:s13+$0xE80]  }
0xd0: {  	v6 =	vld [tilespmem:s13+$0x2E80]  }
0xd1: {  	v0 =	vadd.f32 v1, v0;
	v1 =	vmul.f32 v5, v3;
	v3 =	vld [tilespmem:s13+$0xF00]  }
0xd2: {  	v5 =	vld [tilespmem:s13+$0x2F00]  }
0xd3: {  	v0 =	vadd.f32 v1, v0;
	v1 =	vmul.f32 v7, v2;
	v2 =	vld [tilespmem:s13+$0xF80]  }
0xd4: {  	v7 =	vld [tilespmem:s13+$0x2F80]  }
0xd5: {  	v0 =	vadd.f32 v1, v0;
	v1 =	vmul.f32 v6, v4;
	v4 =	vld [tilespmem:s13+$0x1000]  }
0xd6: {  	v6 =	vld [tilespmem:s13+$0x3000]  }
0xd7: {  	v0 =	vadd.f32 v1, v0;
	v1 =	vmul.f32 v5, v3;
	v3 =	vld [tilespmem:s13+$0x1080]  }
0xd8: {  	v5 =	vld [tilespmem:s13+$0x3080]  }
0xd9: {  	v0 =	vadd.f32 v1, v0;
	v1 =	vmul.f32 v7, v2;
	v2 =	vld [tilespmem:s13+$0x1100]  }
0xda: {  	v7 =	vld [tilespmem:s13+$0x3100]  }
0xdb: {  	v0 =	vadd.f32 v1, v0;
	v1 =	vmul.f32 v6, v4;
	v4 =	vld [tilespmem:s13+$0x1180]  }
0xdc: {  	v6 =	vld [tilespmem:s13+$0x3180]  }
0xdd: {  	v0 =	vadd.f32 v1, v0;
	v1 =	vmul.f32 v5, v3;
	v3 =	vld [tilespmem:s13+$0x1200]  }
0xde: {  	v5 =	vld [tilespmem:s13+$0x3200]  }
0xdf: {  	v0 =	vadd.f32 v1, v0;
	v1 =	vmul.f32 v7, v2;
	v2 =	vld [tilespmem:s13+$0x1280]  }
0xe0: {  	v7 =	vld [tilespmem:s13+$0x3280]  }
0xe1: {  	v0 =	vadd.f32 v1, v0;
	v1 =	vmul.f32 v6, v4;
	v4 =	vld [tilespmem:s13+$0x1300]  }
0xe2: {  	v6 =	vld [tilespmem:s13+$0x3300]  }
0xe3: {  	v0 =	vadd.f32 v1, v0;
	v1 =	vmul.f32 v5, v3;
	v3 =	vld [tilespmem:s13+$0x1380]  }
0xe4: {  	v5 =	vld [tilespmem:s13+$0x3380]  }
0xe5: {  	v0 =	vadd.f32 v1, v0;
	v1 =	vmul.f32 v7, v2;
	v2 =	vld [tilespmem:s13+$0x1400]  }
0xe6: {  	v7 =	vld [tilespmem:s13+$0x3400]  }
0xe7: {  	v0 =	vadd.f32 v1, v0;
	v1 =	vmul.f32 v6, v4;
	v4 =	vld [tilespmem:s13+$0x1480]  }
0xe8: {  	v6 =	vld [tilespmem:s13+$0x3480]  }
0xe9: {  	v0 =	vadd.f32 v1, v0;
	v1 =	vmul.f32 v5, v3;
	v3 =	vld [tilespmem:s13+$0x1500]  }
0xea: {  	v5 =	vld [tilespmem:s13+$0x3500]  }
0xeb: {  	v0 =	vadd.f32 v1, v0;
	v1 =	vmul.f32 v7, v2;
	v2 =	vld [tilespmem:s13+$0x1580]  }
0xec: {  	v7 =	vld [tilespmem:s13+$0x3580]  }
0xed: {  	v0 =	vadd.f32 v1, v0;
	v1 =	vmul.f32 v6, v4;
	v4 =	vld [tilespmem:s13+$0x1600]  }
0xee: {  	v6 =	vld [tilespmem:s13+$0x3600]  }
0xef: {  	v0 =	vadd.f32 v1, v0;
	v1 =	vmul.f32 v5, v3;
	v3 =	vld [tilespmem:s13+$0x1680]  }
0xf0: {  	v5 =	vld [tilespmem:s13+$0x3680]  }
0xf1: {  	v0 =	vadd.f32 v1, v0;
	v1 =	vmul.f32 v7, v2;
	v2 =	vld [tilespmem:s13+$0x1700]  }
0xf2: {  	v7 =	vld [tilespmem:s13+$0x3700]  }
0xf3: {  	v0 =	vadd.f32 v1, v0;
	v1 =	vmul.f32 v6, v4;
	v4 =	vld [tilespmem:s13+$0x1780]  }
0xf4: {  	v6 =	vld [tilespmem:s13+$0x3780]  }
0xf5: {  	v0 =	vadd.f32 v1, v0;
	v1 =	vmul.f32 v5, v3;
	v3 =	vld [tilespmem:s13+$0x1800]  }
0xf6: {  	v5 =	vld [tilespmem:s13+$0x3800]  }
0xf7: {  	v0 =	vadd.f32 v1, v0;
	v1 =	vmul.f32 v7, v2;
	v2 =	vld [tilespmem:s13+$0x1880]  }
0xf8: {  	v7 =	vld [tilespmem:s13+$0x3880]  }
0xf9: {  	v0 =	vadd.f32 v1, v0;
	v1 =	vmul.f32 v6, v4;
	v4 =	vld [tilespmem:s13+$0x1900]  }
0xfa: {  	v6 =	vld [tilespmem:s13+$0x3900]  }
0xfb: {  	v0 =	vadd.f32 v1, v0;
	v1 =	vmul.f32 v5, v3;
	v3 =	vld [tilespmem:s13+$0x1980]  }
0xfc: {  	v5 =	vld [tilespmem:s13+$0x3980]  }
0xfd: {  	v0 =	vadd.f32 v1, v0;
	v1 =	vmul.f32 v7, v2;
	v2 =	vld [tilespmem:s13+$0x1A00]  }
0xfe: {  	v7 =	vld [tilespmem:s13+$0x3A00]  }
0xff: {  	v0 =	vadd.f32 v1, v0;
	v1 =	vmul.f32 v6, v4;
	v4 =	vld [tilespmem:s13+$0x1A80]  }
0x100: {  	v6 =	vld [tilespmem:s13+$0x3A80]  }
0x101: {  	v0 =	vadd.f32 v1, v0;
	v1 =	vmul.f32 v5, v3;
	v3 =	vld [tilespmem:s13+$0x1B00]  }
0x102: {  	v5 =	vld [tilespmem:s13+$0x3B00]  }
0x103: {  	v0 =	vadd.f32 v1, v0;
	v1 =	vmul.f32 v7, v2;
	v2 =	vld [tilespmem:s13+$0x1B80]  }
0x104: {  	v7 =	vld [tilespmem:s13+$0x3B80]  }
0x105: {  	v0 =	vadd.f32 v1, v0;
	v1 =	vmul.f32 v6, v4;
	v4 =	vld [tilespmem:s13+$0x1C00]  }
0x106: {  	v6 =	vld [tilespmem:s13+$0x3C00]  }
0x107: {  	v0 =	vadd.f32 v1, v0;
	v1 =	vmul.f32 v5, v3;
	v3 =	vld [tilespmem:s13+$0x1C80]  }
0x108: {  	v5 =	vld [tilespmem:s13+$0x3C80]  }
0x109: {  	v0 =	vadd.f32 v1, v0;
	v1 =	vmul.f32 v7, v2;
	v2 =	vld [tilespmem:s13+$0x1D00]  }
0x10a: {  	v7 =	vld [tilespmem:s13+$0x3D00]  }
0x10b: {  	v0 =	vadd.f32 v1, v0;
	v1 =	vmul.f32 v6, v4;
	v4 =	vld [tilespmem:s13+$0x1D80]  }
0x10c: {  	v6 =	vld [tilespmem:s13+$0x3D80]  }
0x10d: {  	v0 =	vadd.f32 v1, v0;
	v1 =	vmul.f32 v5, v3;
	v5 =	vld [tilespmem:s13+$0x1E00]  }
0x10e: {  	v8 =	vld [tilespmem:s13+$0x3E00]  }
0x10f: {  	v0 =	vadd.f32 v1, v0;
	v1 =	vmul.f32 v7, v2;
	v7 =	vld [tilespmem:s13+$0x1E80]  }
0x110: {  	v9 =	vld [tilespmem:s13+$0x3E80]  }
.Ltmp0:
0x111: {  	v1 =	vadd.f32 v1, v0;
	v2 =	vmul.f32 v6, v4;
	v0 =	vld [tilespmem:s13+$0x1F00];
	(pc) =	sbr.rel @p0 .LBB2_2-.Ltmp0, $4  }
0x112: {  	v3 =	vld [tilespmem:s13+$0x3F00]  }
0x113: {  	v6 =	vadd.f32 v2, v1;
	v5 =	vmul.f32 v8, v5;
	v1 =	vld [tilespmem:s13+$0x1F80]  }
0x114: {  	s15 =	sshra.s32 s14, $0x2;
	v4 =	vld [tilespmem:s13+$0x3F80]  }
0x115: {  	s14 =	sadd.s32 $0x40, s14;
	v2 =	vld [tilespmem:s15+$0x0];
	v5 =	vadd.f32 v5, v6;
	v6 =	vmul.f32 v9, v7  }
0x116: {  	v7 =	vld [tilespmem:s15+$0x2000]  }
0x117: {  	v8 =	vld [tilespmem:s15+$0x80];
	v5 =	vadd.f32 v6, v5;
	v0 =	vmul.f32 v3, v0  }
0x118: {  	v45 =	vld [tilespmem:s15+$0x2080]  }
0x119: {  	v46 =	vld [tilespmem:s15+$0x100];
	v0 =	vadd.f32 v0, v5;
	v1 =	vmul.f32 v4, v1  }
0x11a: {  	v47 =	vld [tilespmem:s15+$0x2100]  }
0x11b: {  	v48 =	vld [tilespmem:s15+$0x180];
	v2 =	vmul.f32 v7, v2;
	v0 =	vadd.f32 v1, v0  }
0x11c: {  	v49 =	vld [tilespmem:s15+$0x2180]  }
0x11d: {  	v50 =	vld [tilespmem:s15+$0x200];
	v3 =	vmul.f32 v45, v8;
	v2 =	vadd.f32 $0.0e+00, v2;
	[tilespmem:s13+$0x4000] =	vst v0  }
0x11e: {  	v0 =	vld [tilespmem:s15+$0x2200]  }
0x11f: {  	v51 =	vmul.f32 v47, v46;
	v52 =	vld [tilespmem:s15+$0x280];
	v2 =	vadd.f32 v3, v2  }
0x120: {  	v53 =	vld [tilespmem:s15+$0x2280]  }
0x121: {  	v1 =	vmul.f32 v49, v48;
	v54 =	vld [tilespmem:s15+$0x300];
	v2 =	vadd.f32 v51, v2  }
0x122: {  	v55 =	vld [tilespmem:s15+$0x2300]  }
0x123: {  	v56 =	vld [tilespmem:s15+$0x380];
	v1 =	vadd.f32 v1, v2;
	v0 =	vmul.f32 v0, v50  }
0x124: {  	v57 =	vld [tilespmem:s15+$0x2380]  }
0x125: {  	v59 =	vld [tilespmem:s15+$0x400];
	v58 =	vmul.f32 v53, v52;
	v0 =	vadd.f32 v0, v1  }
0x126: {  	v60 =	vld [tilespmem:s15+$0x2400]  }
0x127: {  	v62 =	vld [tilespmem:s15+$0x480];
	v61 =	vmul.f32 v55, v54;
	v0 =	vadd.f32 v58, v0  }
0x128: {  	v63 =	vld [tilespmem:s15+$0x2480]  }
0x129: {  	v10 =	vld [tilespmem:s15+$0x500];
	v9 =	vmul.f32 v57, v56;
	v0 =	vadd.f32 v61, v0  }
0x12a: {  	v11 =	vld [tilespmem:s15+$0x2500]  }
0x12b: {  	v13 =	vld [tilespmem:s15+$0x580];
	v12 =	vmul.f32 v60, v59;
	v0 =	vadd.f32 v9, v0  }
0x12c: {  	v14 =	vld [tilespmem:s15+$0x2580]  }
0x12d: {  	v16 =	vld [tilespmem:s15+$0x600];
	v15 =	vmul.f32 v63, v62;
	v0 =	vadd.f32 v12, v0  }
0x12e: {  	v17 =	vld [tilespmem:s15+$0x2600]  }
0x12f: {  	v19 =	vld [tilespmem:s15+$0x680];
	v18 =	vmul.f32 v11, v10;
	v0 =	vadd.f32 v15, v0  }
0x130: {  	v20 =	vld [tilespmem:s15+$0x2680]  }
0x131: {  	v22 =	vld [tilespmem:s15+$0x700];
	v21 =	vmul.f32 v14, v13;
	v0 =	vadd.f32 v18, v0  }
0x132: {  	v23 =	vld [tilespmem:s15+$0x2700]  }
0x133: {  	v25 =	vld [tilespmem:s15+$0x780];
	v24 =	vmul.f32 v17, v16;
	v0 =	vadd.f32 v21, v0  }
0x134: {  	v26 =	vld [tilespmem:s15+$0x2780]  }
0x135: {  	v28 =	vld [tilespmem:s15+$0x800];
	v27 =	vmul.f32 v20, v19;
	v0 =	vadd.f32 v24, v0  }
0x136: {  	v29 =	vld [tilespmem:s15+$0x2800]  }
0x137: {  	v31 =	vld [tilespmem:s15+$0x880];
	v30 =	vmul.f32 v23, v22;
	v0 =	vadd.f32 v27, v0  }
0x138: {  	v32 =	vld [tilespmem:s15+$0x2880]  }
0x139: {  	v34 =	vld [tilespmem:s15+$0x900];
	v33 =	vmul.f32 v26, v25;
	v0 =	vadd.f32 v30, v0  }
0x13a: {  	v35 =	vld [tilespmem:s15+$0x2900]  }
0x13b: {  	v37 =	vld [tilespmem:s15+$0x980];
	v36 =	vmul.f32 v29, v28;
	v0 =	vadd.f32 v33, v0  }
0x13c: {  	v38 =	vld [tilespmem:s15+$0x2980]  }
0x13d: {  	v40 =	vld [tilespmem:s15+$0xA00];
	v39 =	vmul.f32 v32, v31;
	v0 =	vadd.f32 v36, v0  }
0x13e: {  	v41 =	vld [tilespmem:s15+$0x2A00]  }
0x13f: {  	v43 =	vld [tilespmem:s15+$0xA80];
	v42 =	vmul.f32 v35, v34;
	v0 =	vadd.f32 v39, v0  }
0x140: {  	v44 =	vld [tilespmem:s15+$0x2A80]  }
0x141: {  	v46 =	vld [tilespmem:s15+$0xB00];
	v45 =	vmul.f32 v38, v37;
	v0 =	vadd.f32 v42, v0  }
0x142: {  	v47 =	vld [tilespmem:s15+$0x2B00]  }
0x143: {  	v49 =	vld [tilespmem:s15+$0xB80];
	v48 =	vmul.f32 v41, v40;
	v0 =	vadd.f32 v45, v0  }
0x144: {  	v50 =	vld [tilespmem:s15+$0x2B80]  }
0x145: {  	v51 =	vmul.f32 v44, v43;
	v52 =	vld [tilespmem:s15+$0xC00];
	v0 =	vadd.f32 v48, v0  }
0x146: {  	v53 =	vld [tilespmem:s15+$0x2C00]  }
0x147: {  	v54 =	vmul.f32 v47, v46;
	v55 =	vld [tilespmem:s15+$0xC80];
	v0 =	vadd.f32 v51, v0  }
0x148: {  	v56 =	vld [tilespmem:s15+$0x2C80]  }
0x149: {  	v59 =	vld [tilespmem:s15+$0x2D00];
	v57 =	vmul.f32 v50, v49;
	v0 =	vadd.f32 v54, v0  }
0x14a: {  	v58 =	vld [tilespmem:s15+$0xD00]  }
0x14b: {  	v62 =	vld [tilespmem:s15+$0x2D80];
	v60 =	vmul.f32 v53, v52;
	v0 =	vadd.f32 v57, v0  }
0x14c: {  	v61 =	vld [tilespmem:s15+$0xD80]  }
0x14d: {  	v10 =	vld [tilespmem:s15+$0x2E00];
	v63 =	vmul.f32 v56, v55;
	v0 =	vadd.f32 v60, v0  }
0x14e: {  	v9 =	vld [tilespmem:s15+$0xE00]  }
0x14f: {  	v13 =	vld [tilespmem:s15+$0x2E80];
	v11 =	vmul.f32 v59, v58;
	v0 =	vadd.f32 v63, v0  }
0x150: {  	v12 =	vld [tilespmem:s15+$0xE80]  }
0x151: {  	v16 =	vld [tilespmem:s15+$0x2F00];
	v14 =	vmul.f32 v62, v61;
	v0 =	vadd.f32 v11, v0  }
0x152: {  	v15 =	vld [tilespmem:s15+$0xF00]  }
0x153: {  	v19 =	vld [tilespmem:s15+$0x2F80];
	v17 =	vmul.f32 v10, v9;
	v0 =	vadd.f32 v14, v0  }
0x154: {  	v18 =	vld [tilespmem:s15+$0xF80]  }
0x155: {  	v22 =	vld [tilespmem:s15+$0x3000];
	v20 =	vmul.f32 v13, v12;
	v0 =	vadd.f32 v17, v0  }
0x156: {  	v21 =	vld [tilespmem:s15+$0x1000]  }
0x157: {  	v25 =	vld [tilespmem:s15+$0x3080];
	v23 =	vmul.f32 v16, v15;
	v0 =	vadd.f32 v20, v0  }
0x158: {  	v24 =	vld [tilespmem:s15+$0x1080]  }
0x159: {  	v28 =	vld [tilespmem:s15+$0x3100];
	v26 =	vmul.f32 v19, v18;
	v0 =	vadd.f32 v23, v0  }
0x15a: {  	v27 =	vld [tilespmem:s15+$0x1100]  }
0x15b: {  	v31 =	vld [tilespmem:s15+$0x3180];
	v29 =	vmul.f32 v22, v21;
	v0 =	vadd.f32 v26, v0  }
0x15c: {  	v30 =	vld [tilespmem:s15+$0x1180]  }
0x15d: {  	v34 =	vld [tilespmem:s15+$0x3200];
	v32 =	vmul.f32 v25, v24;
	v0 =	vadd.f32 v29, v0  }
0x15e: {  	v33 =	vld [tilespmem:s15+$0x1200]  }
0x15f: {  	v37 =	vld [tilespmem:s15+$0x3280];
	v35 =	vmul.f32 v28, v27;
	v0 =	vadd.f32 v32, v0  }
0x160: {  	v36 =	vld [tilespmem:s15+$0x1280]  }
0x161: {  	v40 =	vld [tilespmem:s15+$0x3300];
	v38 =	vmul.f32 v31, v30;
	v0 =	vadd.f32 v35, v0  }
0x162: {  	v39 =	vld [tilespmem:s15+$0x1300]  }
0x163: {  	v43 =	vld [tilespmem:s15+$0x3380];
	v41 =	vmul.f32 v34, v33;
	v0 =	vadd.f32 v38, v0  }
0x164: {  	v42 =	vld [tilespmem:s15+$0x1380]  }
0x165: {  	v46 =	vld [tilespmem:s15+$0x3400];
	v44 =	vmul.f32 v37, v36;
	v0 =	vadd.f32 v41, v0  }
0x166: {  	v45 =	vld [tilespmem:s15+$0x1400]  }
0x167: {  	v49 =	vld [tilespmem:s15+$0x3480];
	v47 =	vmul.f32 v40, v39;
	v0 =	vadd.f32 v44, v0  }
0x168: {  	v48 =	vld [tilespmem:s15+$0x1480]  }
0x169: {  	v52 =	vld [tilespmem:s15+$0x3500];
	v50 =	vmul.f32 v43, v42;
	v0 =	vadd.f32 v47, v0  }
0x16a: {  	v51 =	vld [tilespmem:s15+$0x1500]  }
0x16b: {  	v55 =	vld [tilespmem:s15+$0x3580];
	v53 =	vmul.f32 v46, v45;
	v0 =	vadd.f32 v50, v0  }
0x16c: {  	v54 =	vld [tilespmem:s15+$0x1580]  }
0x16d: {  	v58 =	vld [tilespmem:s15+$0x3600];
	v56 =	vmul.f32 v49, v48;
	v0 =	vadd.f32 v53, v0  }
0x16e: {  	v57 =	vld [tilespmem:s15+$0x1600]  }
0x16f: {  	v61 =	vld [tilespmem:s15+$0x3680];
	v59 =	vmul.f32 v52, v51;
	v0 =	vadd.f32 v56, v0  }
0x170: {  	v60 =	vld [tilespmem:s15+$0x1680]  }
0x171: {  	v9 =	vld [tilespmem:s15+$0x3700];
	v62 =	vmul.f32 v55, v54;
	v0 =	vadd.f32 v59, v0  }
0x172: {  	v63 =	vld [tilespmem:s15+$0x1700]  }
0x173: {  	v12 =	vld [tilespmem:s15+$0x3780];
	v10 =	vmul.f32 v58, v57;
	v0 =	vadd.f32 v62, v0  }
0x174: {  	v11 =	vld [tilespmem:s15+$0x1780]  }
0x175: {  	v15 =	vld [tilespmem:s15+$0x3800];
	v13 =	vmul.f32 v61, v60;
	v0 =	vadd.f32 v10, v0  }
0x176: {  	v14 =	vld [tilespmem:s15+$0x1800]  }
0x177: {  	v18 =	vld [tilespmem:s15+$0x3880];
	v16 =	vmul.f32 v9, v63;
	v0 =	vadd.f32 v13, v0  }
0x178: {  	v17 =	vld [tilespmem:s15+$0x1880]  }
0x179: {  	v21 =	vld [tilespmem:s15+$0x3900];
	v19 =	vmul.f32 v12, v11;
	v0 =	vadd.f32 v16, v0  }
0x17a: {  	v20 =	vld [tilespmem:s15+$0x1900]  }
0x17b: {  	v24 =	vld [tilespmem:s15+$0x3980];
	v22 =	vmul.f32 v15, v14;
	v0 =	vadd.f32 v19, v0  }
0x17c: {  	v23 =	vld [tilespmem:s15+$0x1980]  }
0x17d: {  	v27 =	vld [tilespmem:s15+$0x3A00];
	v25 =	vmul.f32 v18, v17;
	v0 =	vadd.f32 v22, v0  }
0x17e: {  	v26 =	vld [tilespmem:s15+$0x1A00]  }
0x17f: {  	v30 =	vld [tilespmem:s15+$0x3A80];
	v28 =	vmul.f32 v21, v20;
	v0 =	vadd.f32 v25, v0  }
0x180: {  	v29 =	vld [tilespmem:s15+$0x1A80]  }
0x181: {  	v33 =	vld [tilespmem:s15+$0x3B00];
	v31 =	vmul.f32 v24, v23;
	v0 =	vadd.f32 v28, v0  }
0x182: {  	v32 =	vld [tilespmem:s15+$0x1B00]  }
0x183: {  	v36 =	vld [tilespmem:s15+$0x3B80];
	v34 =	vmul.f32 v27, v26;
	v0 =	vadd.f32 v31, v0  }
0x184: {  	v35 =	vld [tilespmem:s15+$0x1B80]  }
0x185: {  	v39 =	vld [tilespmem:s15+$0x3C00];
	v37 =	vmul.f32 v30, v29;
	v0 =	vadd.f32 v34, v0  }
0x186: {  	v38 =	vld [tilespmem:s15+$0x1C00]  }
0x187: {  	v42 =	vld [tilespmem:s15+$0x3C80];
	v40 =	vmul.f32 v33, v32;
	v0 =	vadd.f32 v37, v0  }
0x188: {  	v41 =	vld [tilespmem:s15+$0x1C80]  }
0x189: {  	v45 =	vld [tilespmem:s15+$0x3D00];
	v43 =	vmul.f32 v36, v35;
	v0 =	vadd.f32 v40, v0  }
0x18a: {  	v44 =	vld [tilespmem:s15+$0x1D00]  }
0x18b: {  	v48 =	vld [tilespmem:s15+$0x3D80];
	v46 =	vmul.f32 v39, v38;
	v0 =	vadd.f32 v43, v0  }
0x18c: {  	v47 =	vld [tilespmem:s15+$0x1D80]  }
0x18d: {  	v51 =	vld [tilespmem:s15+$0x3E00];
	v49 =	vmul.f32 v42, v41;
	v0 =	vadd.f32 v46, v0  }
0x18e: {  	v50 =	vld [tilespmem:s15+$0x1E00]  }
0x18f: {  	v54 =	vld [tilespmem:s15+$0x3E80];
	v52 =	vmul.f32 v45, v44;
	v0 =	vadd.f32 v49, v0  }
0x190: {  	v53 =	vld [tilespmem:s15+$0x1E80]  }
0x191: {  	v57 =	vld [tilespmem:s15+$0x3F00];
	v55 =	vmul.f32 v48, v47;
	v0 =	vadd.f32 v52, v0  }
0x192: {  	v56 =	vld [tilespmem:s15+$0x1F00]  }
0x193: {  	v60 =	vld [tilespmem:s15+$0x3F80];
	v58 =	vmul.f32 v51, v50;
	v0 =	vadd.f32 v55, v0  }
0x194: {  	v59 =	vld [tilespmem:s15+$0x1F80]  }
0x195: {  	v61 =	vmul.f32 v54, v53;
	v0 =	vadd.f32 v58, v0;
	_ =	sdelay $0x1  }
0x196: {  	v62 =	vmul.f32 v57, v56;
	v0 =	vadd.f32 v61, v0;
	_ =	sdelay $0x1  }
0x197: {  	v63 =	vmul.f32 v60, v59;
	v0 =	vadd.f32 v62, v0;
	_ =	sdelay $0x1  }
0x198: {  	s12 =	sadd.s32 $0x1, s12;
	v0 =	vadd.f32 v63, v0  }
0x199: {  	p0 =	sne.s32 s12, s6  }
.Ltmp1:
0x19a: {  	[tilespmem:s15+$0x4000] =	vst v0;
	(pc) =	sbr.rel @p0 .LBB2_1-.Ltmp1, $4  }
0x19b: {  	[hbm4b:s5+s2] =	stream.linear.scatter [tilespmem:s11], [sflag:$0x1], $0x80, $0x38;
	[tilespmem:$0x4080] =	vst v63  }
0x19c: {  	_ =	swait.ge [sflag:s9], $0x80  }
0x19d: {  	[sflag:s9] =	ssyncset.done $0x0  }
0x19e: {  	[sflag:s9] =	ssyncadd.s32 $0xFFFFFF80  }
0x19f: {  	_ =	sfence.sel $0x180000  }
0x1a0: {  	[bflag:$0x0] =	sbarrier.arrive $0xFFFF  }
0x1a1: {  	p0 =	sne.s32 s1, $0x0;
	_ =	strace $0x90000047  }
0x1a2: {  	s0 =	sadd.s32 @!p0 $0x100000, s0;
	[bflag:$0x2] =	sbarrier.arrive $0xFFFF  }
0x1a3: {  	[sflag:s0] =	ssyncadd.tile.s32 @!p0 $0x1;
	_ =	shalt  }
.Lfunc_end2:
_tile_overlayer_lowered:
.L_overlay_start_2:
0x1a4: {  	(tag) =	ssettag $0x2  }
0x1a5: {  	s0 =	rddreg [dreg:$0x0];
	s2 =	stileid.u32  }
0x1a6: {  	s1 =	rddreg [dreg:$0x1];
	p0 =	sne.s32 s2, $0x0  }
0x1a7: {  	s3 =	rddreg [dreg:$0x2];
	[bflag:$0x3] =	sbarrier.arrive $0xFFFF;
	s2 =	simm.s32 @!p0 $0x1C01  }
0x1a8: {  	[timem:s3], [sflag:s2] =	dma.local @!p0 [hbm:s0], s1  }
0x1a9: {  	s0 =	simm.s32 @!p0 $0x1  }
0x1aa: {  	_ =	swait.ge @!p0 [sflag:s0], s1  }
0x1ab: {  	s1 =	ssub.s32 @!p0 $0x0, s1;
	[sflag:s0] =	ssyncset.done @!p0 $0x0  }
0x1ac: {  	[sflag:s0] =	ssyncadd.s32 @!p0 s1  }
0x1ad: {  	[bflag:$0x3] =	sbarrier.arrive $0xFFFF  }
0x1ae: {  	_ =	shalt  }

</sc_bundles>
